<compile_context>
chip_gen: v7x
topology: tpu7x:2x2x1
jax: 0.10.2.dev20260603
libtpu: 0.0.44.dev20260713+nightly
codegen_flags: <defaults>
</compile_context>

<pallas_src>
import functools

import jax
import jax.numpy as jnp
from jax import lax
from jax.experimental import pallas as pl
from jax.experimental.pallas import tpu as pltpu
from jax.experimental.pallas import tpu_sc as plsc

N = 10000
D = 128
E = 320000

NC = 2
NS = 16
NW = NC * NS
CHUNK = 128
EPT = 10240
E_PAD = NW * EPT
NITER2 = EPT // CHUNK
NITER1 = (E_PAD // NS) // CHUNK
IB = 40
NPAD = 10016
ZROWS = 640

_mesh = plsc.VectorSubcoreMesh(core_axis_name="c", subcore_axis_name="s")


def _tile_row_base(s):
    return jnp.minimum(s * ZROWS, N - ZROWS)


@functools.partial(
    pl.kernel,
    out_type=jax.ShapeDtypeStruct((NC, N, D), jnp.float32),
    mesh=_mesh,
    scratch_types=[
        pltpu.VMEM((NITER2, CHUNK), jnp.int32),
        pltpu.VMEM((CHUNK, D), jnp.float32),
        pltpu.VMEM_SHARED((NPAD, D), jnp.float32),
    ],
)
def _sc_degree(dst_hbm, ones_hbm, zero_hbm, cnt_hbm, idx_v, ones_v, acc_sh):
    c = lax.axis_index("c")
    s = lax.axis_index("s")
    wid = c * NS + s
    base = _tile_row_base(s)
    pltpu.sync_copy(zero_hbm, acc_sh.at[pl.ds(base, ZROWS)])
    pltpu.sync_copy(ones_hbm, ones_v)
    pltpu.sync_copy(dst_hbm.at[wid], idx_v)
    plsc.subcore_barrier()

    def body(j, carry):
        pltpu.sync_copy(ones_v, acc_sh.at[idx_v.at[j]], add=True)
        return carry

    lax.fori_loop(0, NITER2, body, 0)
    plsc.subcore_barrier()
    pltpu.sync_copy(acc_sh.at[pl.ds(base, ZROWS)],
                    cnt_hbm.at[c, pl.ds(base, ZROWS)])


def _edge_agg_body(niter, table_hbm, src_hbm, dst_hbm, zero_hbm, out_hbm,
                   src_v, dst_v, rows0_v, rows1_v, sem0, sem1, acc_sh,
                   split_by_core):
    c = lax.axis_index("c")
    s = lax.axis_index("s")
    base = _tile_row_base(s)
    pltpu.sync_copy(zero_hbm, acc_sh.at[pl.ds(base, ZROWS)])
    plsc.subcore_barrier()

    def outer(b, carry):
        if split_by_core:
            pltpu.sync_copy(src_hbm.at[c * NS + s, pl.ds(b * IB, IB)], src_v)
            pltpu.sync_copy(dst_hbm.at[c * NS + s, pl.ds(b * IB, IB)], dst_v)
        else:
            pltpu.sync_copy(src_hbm.at[c, s, pl.ds(b * IB, IB)], src_v)
            pltpu.sync_copy(dst_hbm.at[s, pl.ds(b * IB, IB)], dst_v)

        pltpu.async_copy(table_hbm.at[src_v.at[0]], rows0_v, sem0)

        def body(i, carry2):
            j0 = i * 2
            pltpu.async_copy(table_hbm.at[src_v.at[j0 + 1]], rows1_v, sem1)
            pltpu.make_async_copy(table_hbm.at[src_v.at[j0]], rows0_v,
                                  sem0).wait()
            pltpu.sync_copy(rows0_v, acc_sh.at[dst_v.at[j0]], add=True)

            @pl.when(i + 1 < IB // 2)
            def _():
                pltpu.async_copy(table_hbm.at[src_v.at[j0 + 2]], rows0_v,
                                 sem0)

            pltpu.make_async_copy(table_hbm.at[src_v.at[j0 + 1]], rows1_v,
                                  sem1).wait()
            pltpu.sync_copy(rows1_v, acc_sh.at[dst_v.at[j0 + 1]], add=True)
            return carry2

        lax.fori_loop(0, IB // 2, body, 0)
        return carry

    lax.fori_loop(0, niter // IB, outer, 0)
    plsc.subcore_barrier()
    pltpu.sync_copy(acc_sh.at[pl.ds(base, ZROWS)],
                    out_hbm.at[c, pl.ds(base, ZROWS)])


@functools.partial(
    pl.kernel,
    out_type=jax.ShapeDtypeStruct((NC, N, D), jnp.float32),
    mesh=_mesh,
    scratch_types=[
        pltpu.VMEM((IB, CHUNK), jnp.int32),
        pltpu.VMEM((IB, CHUNK), jnp.int32),
        pltpu.VMEM((CHUNK, D), jnp.float32),
        pltpu.VMEM((CHUNK, D), jnp.float32),
        pltpu.SemaphoreType.DMA,
        pltpu.SemaphoreType.DMA,
        pltpu.VMEM_SHARED((NPAD, D), jnp.float32),
    ],
)
def _sc_agg1(table_hbm, src_hbm, dst_hbm, zero_hbm, out_hbm,
             src_v, dst_v, rows0_v, rows1_v, sem0, sem1, acc_sh):
    _edge_agg_body(NITER1, table_hbm, src_hbm, dst_hbm, zero_hbm, out_hbm,
                   src_v, dst_v, rows0_v, rows1_v, sem0, sem1, acc_sh,
                   split_by_core=False)


@functools.partial(
    pl.kernel,
    out_type=jax.ShapeDtypeStruct((NC, N, D), jnp.float32),
    mesh=_mesh,
    scratch_types=[
        pltpu.VMEM((IB, CHUNK), jnp.int32),
        pltpu.VMEM((IB, CHUNK), jnp.int32),
        pltpu.VMEM((CHUNK, D), jnp.float32),
        pltpu.VMEM((CHUNK, D), jnp.float32),
        pltpu.SemaphoreType.DMA,
        pltpu.SemaphoreType.DMA,
        pltpu.VMEM_SHARED((NPAD, D), jnp.float32),
    ],
)
def _sc_agg2(table_hbm, src_hbm, dst_hbm, zero_hbm, out_hbm,
             src_v, dst_v, rows0_v, rows1_v, sem0, sem1, acc_sh):
    _edge_agg_body(NITER2, table_hbm, src_hbm, dst_hbm, zero_hbm, out_hbm,
                   src_v, dst_v, rows0_v, rows1_v, sem0, sem1, acc_sh,
                   split_by_core=True)


BN = 2000


def _tc1_body(emb_ref, w1_ref, cnt_ref, xs_ref, dinv_ref):
    x1 = jnp.dot(emb_ref[...], w1_ref[...], preferred_element_type=jnp.float32)
    deg = 1.0 + cnt_ref[0, :, 0:1] + cnt_ref[1, :, 0:1]
    dinv = lax.rsqrt(deg)
    dinv_ref[...] = dinv
    xs = x1 * dinv
    xs_ref[0] = xs[:, :D]
    xs_ref[1] = xs[:, D:]


def _tc1(emb, W1, cnt):
    return pl.pallas_call(
        _tc1_body,
        grid=(N // BN,),
        in_specs=[
            pl.BlockSpec((BN, D), lambda i: (i, 0)),
            pl.BlockSpec((D, 2 * D), lambda i: (0, 0)),
            pl.BlockSpec((NC, BN, D), lambda i: (0, i, 0)),
        ],
        out_specs=[
            pl.BlockSpec((NC, BN, D), lambda i: (0, i, 0)),
            pl.BlockSpec((BN, 1), lambda i: (i, 0)),
        ],
        out_shape=[
            jax.ShapeDtypeStruct((NC, N, D), jnp.float32),
            jax.ShapeDtypeStruct((N, 1), jnp.float32),
        ],
    )(emb, W1, cnt)


def _tc2_body(agg_ref, xs_ref, dinv_ref, b1_ref, w2_ref, xs2_ref):
    dinv = dinv_ref[...]
    h = jnp.concatenate(
        [agg_ref[0] + xs_ref[0], agg_ref[1] + xs_ref[1]], axis=1)
    h = h * dinv + b1_ref[...]
    nrm = jnp.sqrt(jnp.sum(h * h, axis=1, keepdims=True))
    h = h / jnp.maximum(nrm, 1e-12)
    x2 = jnp.dot(h, w2_ref[...], preferred_element_type=jnp.float32)
    xs2_ref[...] = x2 * dinv


def _tc2(agg, xs, dinv, b1, W2):
    return pl.pallas_call(
        _tc2_body,
        grid=(N // BN,),
        in_specs=[
            pl.BlockSpec((NC, BN, D), lambda i: (0, i, 0)),
            pl.BlockSpec((NC, BN, D), lambda i: (0, i, 0)),
            pl.BlockSpec((BN, 1), lambda i: (i, 0)),
            pl.BlockSpec((1, 2 * D), lambda i: (0, 0)),
            pl.BlockSpec((2 * D, D), lambda i: (0, 0)),
        ],
        out_specs=pl.BlockSpec((BN, D), lambda i: (i, 0)),
        out_shape=jax.ShapeDtypeStruct((N, D), jnp.float32),
    )(agg, xs, dinv, b1, W2)


def _tc3_body(p_ref, xs2_ref, dinv_ref, b2_ref, out_ref):
    out_ref[...] = (dinv_ref[...] * (p_ref[0] + p_ref[1] + xs2_ref[...])
                    + b2_ref[...])


def _tc3(p, xs2, dinv, b2):
    return pl.pallas_call(
        _tc3_body,
        grid=(N // BN,),
        in_specs=[
            pl.BlockSpec((NC, BN, D), lambda i: (0, i, 0)),
            pl.BlockSpec((BN, D), lambda i: (i, 0)),
            pl.BlockSpec((BN, 1), lambda i: (i, 0)),
            pl.BlockSpec((1, D), lambda i: (0, 0)),
        ],
        out_specs=pl.BlockSpec((BN, D), lambda i: (i, 0)),
        out_shape=jax.ShapeDtypeStruct((N, D), jnp.float32),
    )(p, xs2, dinv, b2)


def kernel(edge_index, emb, W1, b1, W2, b2):
    src = edge_index[0].astype(jnp.int32)
    dst = edge_index[1].astype(jnp.int32)
    pad = E_PAD - E
    ar = jnp.arange(pad, dtype=jnp.int32)
    src_p = jnp.concatenate([src, (ar * 997) % N])
    dst_p = jnp.concatenate([dst, N + (ar % (NPAD - N))])

    src32 = src_p.reshape(NW, NITER2, CHUNK)
    dst32 = dst_p.reshape(NW, NITER2, CHUNK)
    src16 = src_p.reshape(NS, NITER1, CHUNK)
    src16_2 = jnp.stack([src16, src16 + N])
    dst16 = dst_p.reshape(NS, NITER1, CHUNK)

    ones128 = jnp.ones((CHUNK, D), jnp.float32)
    zeros128 = jnp.zeros((ZROWS, D), jnp.float32)

    cnt = _sc_degree(dst32, ones128, zeros128)
    xs, dinv = _tc1(emb, W1, cnt)
    agg = _sc_agg1(xs.reshape(NC * N, D), src16_2, dst16, zeros128)
    xs2 = _tc2(agg, xs, dinv, b1.reshape(1, 2 * D), W2)
    p = _sc_agg2(xs2, src32, dst32, zeros128)
    return _tc3(p, xs2, dinv, b2.reshape(1, D))

# --- scband reference (transcript-rebuilt; emitter-appended) ---
"""Pipeline reference for scband-normal-graph-nn-31980326486290 (READ-ONLY COPY).

The authoritative reference and input builder live on the scoring server;
editing this copy changes nothing except your own understanding.
"""

import jax, jax.numpy as jnp
import numpy as np

N = 10000
D = 128
E = 320000


def setup_inputs(seed: int = 0) -> dict:
    key = jax.random.key(seed)
    k1, k2, k3, k4 = jax.random.split(key, 4)
    edge_index = jax.random.randint(k1, (2, E), 0, N)
    # nn.Embedding weight with xavier_normal_ init, padding_idx=0 row zeroed
    std_emb = (2.0 / (N + D)) ** 0.5
    emb = jax.random.normal(k2, (N, D), dtype=jnp.float32) * std_emb
    emb = emb.at[0].set(0.0)
    # GCNConv weights (glorot) and zero biases
    std1 = (2.0 / (D + 2 * D)) ** 0.5
    W1 = jax.random.normal(k3, (D, 2 * D), dtype=jnp.float32) * std1
    b1 = jnp.zeros((2 * D,), dtype=jnp.float32)
    std2 = (2.0 / (2 * D + D)) ** 0.5
    W2 = jax.random.normal(k4, (2 * D, D), dtype=jnp.float32) * std2
    b2 = jnp.zeros((D,), dtype=jnp.float32)
    return {"edge_index": edge_index, "emb": emb, "W1": W1, "b1": b1, "W2": W2, "b2": b2}


def _gcn_conv(x, src, dst, W, b, n_nodes):
    # PyG GCNConv: x' = D^{-1/2} (A + I) D^{-1/2} (x W) + b  (self-loops already in src/dst)
    x = x @ W
    deg = jnp.zeros((n_nodes,), x.dtype).at[dst].add(1.0)
    deg_inv_sqrt = jnp.where(deg > 0, 1.0 / jnp.sqrt(jnp.maximum(deg, 1e-12)), 0.0)
    norm = deg_inv_sqrt[src] * deg_inv_sqrt[dst]
    msg = x[src] * norm[:, None]
    out = jnp.zeros((n_nodes, x.shape[1]), x.dtype).at[dst].add(msg)
    return out + b


def reference(edge_index, emb, W1, b1, W2, b2):
    n_nodes = emb.shape[0]
    self_loops = jnp.arange(n_nodes)
    src = jnp.concatenate([edge_index[0], self_loops])
    dst = jnp.concatenate([edge_index[1], self_loops])
    h = _gcn_conv(emb, src, dst, W1, b1, n_nodes)
    # F.normalize(h, dim=-1, p=2)
    h = h / jnp.maximum(jnp.linalg.norm(h, axis=-1, keepdims=True), 1e-12)
    # dropout is identity in eval mode
    out = _gcn_conv(h, src, dst, W2, b2, n_nodes)
    return out

if __name__ == "__main__":
    import jax
    _d = setup_inputs()
    print(jax.jit(kernel)(*tuple(_d.values())))

</pallas_src>

<mosaic_0001>
#map = affine_map<(d0, d1) -> (0, 0)>
#map1 = affine_map<(d0, d1) -> (0, 0, 0, 0)>
#map2 = affine_map<(d0, d1) -> (0, 0, 0)>
module attributes {stable_mosaic.version = 14 : i64} {
  func.func @_sc_agg1(%arg0: i32, %arg1: i32, %arg2: memref<20000x128xf32, #tpu.memory_space<hbm>>, %arg3: memref<2x16x160x128xi32, #tpu.memory_space<hbm>>, %arg4: memref<16x160x128xi32, #tpu.memory_space<hbm>>, %arg5: memref<640x128xf32, #tpu.memory_space<hbm>>, %arg6: memref<2x10000x128xf32, #tpu.memory_space<hbm>>, %arg7: memref<40x128xi32, #tpu.memory_space<vmem>>, %arg8: memref<40x128xi32, #tpu.memory_space<vmem>>, %arg9: memref<128x128xf32, #tpu.memory_space<vmem>>, %arg10: memref<128x128xf32, #tpu.memory_space<vmem>>, %arg11: memref<!tpu.dma_semaphore, #tpu.memory_space<semaphore_mem>>, %arg12: memref<!tpu.dma_semaphore, #tpu.memory_space<semaphore_mem>>, %arg13: memref<10016x128xf32, #tpu.memory_space<vmem_shared>>) attributes {dimension_semantics = [#tpu.dimension_semantics<core_parallel>, #tpu.dimension_semantics<subcore_parallel>], iteration_bounds = array<i64: 2, 16>, scalar_prefetch = 0 : i64, scratch_operands = 7 : i64, tpu.core_type = #tpu.core_type<sc_vector_subcore>, window_params = [{transform_indices = #map}, {transform_indices = #map1}, {transform_indices = #map2}, {transform_indices = #map}, {transform_indices = #map2}]} {
    %mul3A = arith.constant 640 : i32
    %mul3A_0 = arith.muli %arg1, %mul3A : i32
    %min3A = arith.constant 9360 : i32
    %min3A_1 = arith.minsi %mul3A_0, %min3A : i32
    "tpu.region"() ({
      %run_scoped3A = tpu.sem_alloc : memref<!tpu.dma_semaphore, #tpu.memory_space<semaphore_mem>>
      %dma_start3A = arith.constant 0 : i32
      %dma_start3A_8 = tpu.memref_slice %arg13[%min3A_1, %dma_start3A] : memref<10016x128xf32, #tpu.memory_space<vmem_shared>> -> memref<640x128xf32, #tpu.memory_space<vmem_shared>>
      tpu.enqueue_dma source(%arg5 : memref<640x128xf32, #tpu.memory_space<hbm>>) target(%dma_start3A_8 : memref<640x128xf32, #tpu.memory_space<vmem_shared>>) target_semaphore(%run_scoped3A : memref<!tpu.dma_semaphore, #tpu.memory_space<semaphore_mem>>)
      %dma_wait3A = arith.constant 0 : i32
      %dma_wait3A_9 = tpu.memref_slice %arg13[%min3A_1, %dma_wait3A] : memref<10016x128xf32, #tpu.memory_space<vmem_shared>> -> memref<640x128xf32, #tpu.memory_space<vmem_shared>>
      tpu.wait_dma2 semaphore(%run_scoped3A : memref<!tpu.dma_semaphore, #tpu.memory_space<semaphore_mem>>) src(%arg5 : memref<640x128xf32, #tpu.memory_space<hbm>>) dst(%dma_wait3A_9 : memref<640x128xf32, #tpu.memory_space<vmem_shared>>)
      tpu.yield
    }) : () -> ()
    %barrier3A = arith.constant 0 : index
    tpu.barrier barrier_id(%barrier3A)
    %scan3A = arith.constant 0 : i32
    %scan3A_2 = arith.constant 0 : i32
    %scan3A_3 = arith.constant 4 : i32
    %scan3A_4 = arith.addi %scan3A_2, %scan3A_3 : i32
    %scan3A_5 = arith.constant 1 : i32
    scf.for %scan3A_8 = %scan3A_2 to %scan3A_4 step %scan3A_5  : i32 {
      %mul3A_9 = arith.constant 40 : i32
      %mul3A_10 = arith.muli %scan3A_8, %mul3A_9 : i32
      "tpu.region"() ({
        %run_scoped3A = tpu.sem_alloc : memref<!tpu.dma_semaphore, #tpu.memory_space<semaphore_mem>>
        %dma_start3A_25 = arith.constant 0 : i32
        %dma_start3A_26 = tpu.memref_slice %arg3[%arg0, %arg1, %mul3A_10, %dma_start3A_25] : memref<2x16x160x128xi32, #tpu.memory_space<hbm>> -> memref<1x1x40x128xi32, #tpu.memory_space<hbm>>
        %dma_start3A_27 = tpu.memref_squeeze %dma_start3A_26 : memref<1x1x40x128xi32, #tpu.memory_space<hbm>> -> memref<40x128xi32, #tpu.memory_space<hbm>>
        %dma_start3A_28 = arith.constant 0 : i32
        %dma_start3A_29 = tpu.memref_slice %arg3[%arg0, %arg1, %mul3A_10, %dma_start3A_28] : memref<2x16x160x128xi32, #tpu.memory_space<hbm>> -> memref<1x1x40x128xi32, #tpu.memory_space<hbm>>
        %dma_start3A_30 = tpu.memref_squeeze %dma_start3A_29 : memref<1x1x40x128xi32, #tpu.memory_space<hbm>> -> memref<40x128xi32, #tpu.memory_space<hbm>>
        tpu.enqueue_dma source(%dma_start3A_30 : memref<40x128xi32, #tpu.memory_space<hbm>>) target(%arg7 : memref<40x128xi32, #tpu.memory_space<vmem>>) target_semaphore(%run_scoped3A : memref<!tpu.dma_semaphore, #tpu.memory_space<semaphore_mem>>)
        %dma_wait3A = arith.constant 0 : i32
        %dma_wait3A_31 = tpu.memref_slice %arg3[%arg0, %arg1, %mul3A_10, %dma_wait3A] : memref<2x16x160x128xi32, #tpu.memory_space<hbm>> -> memref<1x1x40x128xi32, #tpu.memory_space<hbm>>
        %dma_wait3A_32 = tpu.memref_squeeze %dma_wait3A_31 : memref<1x1x40x128xi32, #tpu.memory_space<hbm>> -> memref<40x128xi32, #tpu.memory_space<hbm>>
        %dma_wait3A_33 = arith.constant 0 : i32
        %dma_wait3A_34 = tpu.memref_slice %arg3[%arg0, %arg1, %mul3A_10, %dma_wait3A_33] : memref<2x16x160x128xi32, #tpu.memory_space<hbm>> -> memref<1x1x40x128xi32, #tpu.memory_space<hbm>>
        %dma_wait3A_35 = tpu.memref_squeeze %dma_wait3A_34 : memref<1x1x40x128xi32, #tpu.memory_space<hbm>> -> memref<40x128xi32, #tpu.memory_space<hbm>>
        tpu.wait_dma2 semaphore(%run_scoped3A : memref<!tpu.dma_semaphore, #tpu.memory_space<semaphore_mem>>) src(%dma_wait3A_35 : memref<40x128xi32, #tpu.memory_space<hbm>>) dst(%arg7 : memref<40x128xi32, #tpu.memory_space<vmem>>)
        tpu.yield
      }) : () -> ()
      %mul3A_11 = arith.constant 40 : i32
      %mul3A_12 = arith.muli %scan3A_8, %mul3A_11 : i32
      "tpu.region"() ({
        %run_scoped3A = tpu.sem_alloc : memref<!tpu.dma_semaphore, #tpu.memory_space<semaphore_mem>>
        %dma_start3A_25 = arith.constant 0 : i32
        %dma_start3A_26 = tpu.memref_slice %arg4[%arg1, %mul3A_12, %dma_start3A_25] : memref<16x160x128xi32, #tpu.memory_space<hbm>> -> memref<1x40x128xi32, #tpu.memory_space<hbm>>
        %dma_start3A_27 = tpu.memref_squeeze %dma_start3A_26 : memref<1x40x128xi32, #tpu.memory_space<hbm>> -> memref<40x128xi32, #tpu.memory_space<hbm>>
        %dma_start3A_28 = arith.constant 0 : i32
        %dma_start3A_29 = tpu.memref_slice %arg4[%arg1, %mul3A_12, %dma_start3A_28] : memref<16x160x128xi32, #tpu.memory_space<hbm>> -> memref<1x40x128xi32, #tpu.memory_space<hbm>>
        %dma_start3A_30 = tpu.memref_squeeze %dma_start3A_29 : memref<1x40x128xi32, #tpu.memory_space<hbm>> -> memref<40x128xi32, #tpu.memory_space<hbm>>
        tpu.enqueue_dma source(%dma_start3A_30 : memref<40x128xi32, #tpu.memory_space<hbm>>) target(%arg8 : memref<40x128xi32, #tpu.memory_space<vmem>>) target_semaphore(%run_scoped3A : memref<!tpu.dma_semaphore, #tpu.memory_space<semaphore_mem>>)
        %dma_wait3A = arith.constant 0 : i32
        %dma_wait3A_31 = tpu.memref_slice %arg4[%arg1, %mul3A_12, %dma_wait3A] : memref<16x160x128xi32, #tpu.memory_space<hbm>> -> memref<1x40x128xi32, #tpu.memory_space<hbm>>
        %dma_wait3A_32 = tpu.memref_squeeze %dma_wait3A_31 : memref<1x40x128xi32, #tpu.memory_space<hbm>> -> memref<40x128xi32, #tpu.memory_space<hbm>>
        %dma_wait3A_33 = arith.constant 0 : i32
        %dma_wait3A_34 = tpu.memref_slice %arg4[%arg1, %mul3A_12, %dma_wait3A_33] : memref<16x160x128xi32, #tpu.memory_space<hbm>> -> memref<1x40x128xi32, #tpu.memory_space<hbm>>
        %dma_wait3A_35 = tpu.memref_squeeze %dma_wait3A_34 : memref<1x40x128xi32, #tpu.memory_space<hbm>> -> memref<40x128xi32, #tpu.memory_space<hbm>>
        tpu.wait_dma2 semaphore(%run_scoped3A : memref<!tpu.dma_semaphore, #tpu.memory_space<semaphore_mem>>) src(%dma_wait3A_35 : memref<40x128xi32, #tpu.memory_space<hbm>>) dst(%arg8 : memref<40x128xi32, #tpu.memory_space<vmem>>)
        tpu.yield
      }) : () -> ()
      %dma_start3A = arith.constant 0 : i32
      %dma_start3A_13 = arith.constant 0 : i32
      %dma_start3A_14 = tpu.memref_slice %arg7[%dma_start3A, %dma_start3A_13] : memref<40x128xi32, #tpu.memory_space<vmem>> -> memref<1x128xi32, #tpu.memory_space<vmem>>
      %dma_start3A_15 = tpu.memref_squeeze %dma_start3A_14 : memref<1x128xi32, #tpu.memory_space<vmem>> -> memref<128xi32, #tpu.memory_space<vmem>>
      %dma_start3A_16 = arith.constant 0 : i32
      %dma_start3A_17 = arith.constant 0 : i32
      %dma_start3A_18 = tpu.memref_slice %arg2[%dma_start3A_16, %dma_start3A_17] : memref<20000x128xf32, #tpu.memory_space<hbm>> -> memref<20000x128xf32, #tpu.memory_space<hbm>>
      tpu.enqueue_indirect_dma source(%dma_start3A_18 : memref<20000x128xf32, #tpu.memory_space<hbm>>) target(%arg9 : memref<128x128xf32, #tpu.memory_space<vmem>>) offsets(%dma_start3A_15 : memref<128xi32, #tpu.memory_space<vmem>>) semaphore(%arg11 : memref<!tpu.dma_semaphore, #tpu.memory_space<semaphore_mem>>)
      %scan3A_19 = arith.constant 0 : i32
      %scan3A_20 = arith.constant 0 : i32
      %scan3A_21 = arith.constant 20 : i32
      %scan3A_22 = arith.addi %scan3A_20, %scan3A_21 : i32
      %scan3A_23 = arith.constant 1 : i32
      scf.for %scan3A_25 = %scan3A_20 to %scan3A_22 step %scan3A_23  : i32 {
        %mul3A_26 = arith.constant 2 : i32
        %mul3A_27 = arith.muli %scan3A_25, %mul3A_26 : i32
        %add3A = arith.constant 1 : i32
        %add3A_28 = arith.addi %mul3A_27, %add3A : i32
        %dma_start3A_29 = arith.constant 0 : i32
        %dma_start3A_30 = tpu.memref_slice %arg7[%add3A_28, %dma_start3A_29] : memref<40x128xi32, #tpu.memory_space<vmem>> -> memref<1x128xi32, #tpu.memory_space<vmem>>
        %dma_start3A_31 = tpu.memref_squeeze %dma_start3A_30 : memref<1x128xi32, #tpu.memory_space<vmem>> -> memref<128xi32, #tpu.memory_space<vmem>>
        %dma_start3A_32 = arith.constant 0 : i32
        %dma_start3A_33 = arith.constant 0 : i32
        %dma_start3A_34 = tpu.memref_slice %arg2[%dma_start3A_32, %dma_start3A_33] : memref<20000x128xf32, #tpu.memory_space<hbm>> -> memref<20000x128xf32, #tpu.memory_space<hbm>>
        tpu.enqueue_indirect_dma source(%dma_start3A_34 : memref<20000x128xf32, #tpu.memory_space<hbm>>) target(%arg10 : memref<128x128xf32, #tpu.memory_space<vmem>>) offsets(%dma_start3A_31 : memref<128xi32, #tpu.memory_space<vmem>>) semaphore(%arg12 : memref<!tpu.dma_semaphore, #tpu.memory_space<semaphore_mem>>)
        %dma_wait3A = arith.constant 0 : i32
        %dma_wait3A_35 = tpu.memref_slice %arg7[%mul3A_27, %dma_wait3A] : memref<40x128xi32, #tpu.memory_space<vmem>> -> memref<1x128xi32, #tpu.memory_space<vmem>>
        %dma_wait3A_36 = tpu.memref_squeeze %dma_wait3A_35 : memref<1x128xi32, #tpu.memory_space<vmem>> -> memref<128xi32, #tpu.memory_space<vmem>>
        %dma_wait3A_37 = arith.constant 0 : i32
        %dma_wait3A_38 = arith.constant 0 : i32
        %dma_wait3A_39 = tpu.memref_slice %arg2[%dma_wait3A_37, %dma_wait3A_38] : memref<20000x128xf32, #tpu.memory_space<hbm>> -> memref<20000x128xf32, #tpu.memory_space<hbm>>
        tpu.wait_indirect_dma semaphore(%arg11 : memref<!tpu.dma_semaphore, #tpu.memory_space<semaphore_mem>>) src(%dma_wait3A_39 : memref<20000x128xf32, #tpu.memory_space<hbm>>) dst(%arg9 : memref<128x128xf32, #tpu.memory_space<vmem>>)
        "tpu.region"() ({
          %run_scoped3A = tpu.sem_alloc : memref<!tpu.dma_semaphore, #tpu.memory_space<semaphore_mem>>
          %dma_start3A_54 = arith.constant 0 : i32
          %dma_start3A_55 = tpu.memref_slice %arg8[%mul3A_27, %dma_start3A_54] : memref<40x128xi32, #tpu.memory_space<vmem>> -> memref<1x128xi32, #tpu.memory_space<vmem>>
          %dma_start3A_56 = tpu.memref_squeeze %dma_start3A_55 : memref<1x128xi32, #tpu.memory_space<vmem>> -> memref<128xi32, #tpu.memory_space<vmem>>
          %dma_start3A_57 = arith.constant 0 : i32
          %dma_start3A_58 = arith.constant 0 : i32
          %dma_start3A_59 = tpu.memref_slice %arg13[%dma_start3A_57, %dma_start3A_58] : memref<10016x128xf32, #tpu.memory_space<vmem_shared>> -> memref<10016x128xf32, #tpu.memory_space<vmem_shared>>
          tpu.enqueue_indirect_dma source(%arg9 : memref<128x128xf32, #tpu.memory_space<vmem>>) target(%dma_start3A_59 : memref<10016x128xf32, #tpu.memory_space<vmem_shared>>) offsets(%dma_start3A_56 : memref<128xi32, #tpu.memory_space<vmem>>) semaphore(%run_scoped3A : memref<!tpu.dma_semaphore, #tpu.memory_space<semaphore_mem>>) {add = true}
          %dma_wait3A_60 = arith.constant 0 : i32
          %dma_wait3A_61 = tpu.memref_slice %arg8[%mul3A_27, %dma_wait3A_60] : memref<40x128xi32, #tpu.memory_space<vmem>> -> memref<1x128xi32, #tpu.memory_space<vmem>>
          %dma_wait3A_62 = tpu.memref_squeeze %dma_wait3A_61 : memref<1x128xi32, #tpu.memory_space<vmem>> -> memref<128xi32, #tpu.memory_space<vmem>>
          %dma_wait3A_63 = arith.constant 0 : i32
          %dma_wait3A_64 = arith.constant 0 : i32
          %dma_wait3A_65 = tpu.memref_slice %arg13[%dma_wait3A_63, %dma_wait3A_64] : memref<10016x128xf32, #tpu.memory_space<vmem_shared>> -> memref<10016x128xf32, #tpu.memory_space<vmem_shared>>
          tpu.wait_indirect_dma semaphore(%run_scoped3A : memref<!tpu.dma_semaphore, #tpu.memory_space<semaphore_mem>>) src(%arg9 : memref<128x128xf32, #tpu.memory_space<vmem>>) dst(%dma_wait3A_65 : memref<10016x128xf32, #tpu.memory_space<vmem_shared>>)
          tpu.yield
        }) : () -> ()
        %add3A_40 = arith.constant 1 : i32
        %add3A_41 = arith.addi %scan3A_25, %add3A_40 : i32
        %lt3A = arith.constant 20 : i32
        %lt3A_42 = arith.cmpi slt, %add3A_41, %lt3A : i32
        %convert_element_type3A = arith.extui %lt3A_42 : i1 to i32
        %cond3A = arith.constant 0 : i32
        %cond3A_43 = arith.cmpi ne, %convert_element_type3A, %cond3A : i32
        scf.if %cond3A_43 {
          %add3A_54 = arith.constant 2 : i32
          %add3A_55 = arith.addi %mul3A_27, %add3A_54 : i32
          %dma_start3A_56 = arith.constant 0 : i32
          %dma_start3A_57 = tpu.memref_slice %arg7[%add3A_55, %dma_start3A_56] : memref<40x128xi32, #tpu.memory_space<vmem>> -> memref<1x128xi32, #tpu.memory_space<vmem>>
          %dma_start3A_58 = tpu.memref_squeeze %dma_start3A_57 : memref<1x128xi32, #tpu.memory_space<vmem>> -> memref<128xi32, #tpu.memory_space<vmem>>
          %dma_start3A_59 = arith.constant 0 : i32
          %dma_start3A_60 = arith.constant 0 : i32
          %dma_start3A_61 = tpu.memref_slice %arg2[%dma_start3A_59, %dma_start3A_60] : memref<20000x128xf32, #tpu.memory_space<hbm>> -> memref<20000x128xf32, #tpu.memory_space<hbm>>
          tpu.enqueue_indirect_dma source(%dma_start3A_61 : memref<20000x128xf32, #tpu.memory_space<hbm>>) target(%arg9 : memref<128x128xf32, #tpu.memory_space<vmem>>) offsets(%dma_start3A_58 : memref<128xi32, #tpu.memory_space<vmem>>) semaphore(%arg11 : memref<!tpu.dma_semaphore, #tpu.memory_space<semaphore_mem>>)
        } else {
        }
        %add3A_44 = arith.constant 1 : i32
        %add3A_45 = arith.addi %mul3A_27, %add3A_44 : i32
        %dma_wait3A_46 = arith.constant 0 : i32
        %dma_wait3A_47 = tpu.memref_slice %arg7[%add3A_45, %dma_wait3A_46] : memref<40x128xi32, #tpu.memory_space<vmem>> -> memref<1x128xi32, #tpu.memory_space<vmem>>
        %dma_wait3A_48 = tpu.memref_squeeze %dma_wait3A_47 : memref<1x128xi32, #tpu.memory_space<vmem>> -> memref<128xi32, #tpu.memory_space<vmem>>
        %dma_wait3A_49 = arith.constant 0 : i32
        %dma_wait3A_50 = arith.constant 0 : i32
        %dma_wait3A_51 = tpu.memref_slice %arg2[%dma_wait3A_49, %dma_wait3A_50] : memref<20000x128xf32, #tpu.memory_space<hbm>> -> memref<20000x128xf32, #tpu.memory_space<hbm>>
        tpu.wait_indirect_dma semaphore(%arg12 : memref<!tpu.dma_semaphore, #tpu.memory_space<semaphore_mem>>) src(%dma_wait3A_51 : memref<20000x128xf32, #tpu.memory_space<hbm>>) dst(%arg10 : memref<128x128xf32, #tpu.memory_space<vmem>>)
        %add3A_52 = arith.constant 1 : i32
        %add3A_53 = arith.addi %mul3A_27, %add3A_52 : i32
        "tpu.region"() ({
          %run_scoped3A = tpu.sem_alloc : memref<!tpu.dma_semaphore, #tpu.memory_space<semaphore_mem>>
          %dma_start3A_54 = arith.constant 0 : i32
          %dma_start3A_55 = tpu.memref_slice %arg8[%add3A_53, %dma_start3A_54] : memref<40x128xi32, #tpu.memory_space<vmem>> -> memref<1x128xi32, #tpu.memory_space<vmem>>
          %dma_start3A_56 = tpu.memref_squeeze %dma_start3A_55 : memref<1x128xi32, #tpu.memory_space<vmem>> -> memref<128xi32, #tpu.memory_space<vmem>>
          %dma_start3A_57 = arith.constant 0 : i32
          %dma_start3A_58 = arith.constant 0 : i32
          %dma_start3A_59 = tpu.memref_slice %arg13[%dma_start3A_57, %dma_start3A_58] : memref<10016x128xf32, #tpu.memory_space<vmem_shared>> -> memref<10016x128xf32, #tpu.memory_space<vmem_shared>>
          tpu.enqueue_indirect_dma source(%arg10 : memref<128x128xf32, #tpu.memory_space<vmem>>) target(%dma_start3A_59 : memref<10016x128xf32, #tpu.memory_space<vmem_shared>>) offsets(%dma_start3A_56 : memref<128xi32, #tpu.memory_space<vmem>>) semaphore(%run_scoped3A : memref<!tpu.dma_semaphore, #tpu.memory_space<semaphore_mem>>) {add = true}
          %dma_wait3A_60 = arith.constant 0 : i32
          %dma_wait3A_61 = tpu.memref_slice %arg8[%add3A_53, %dma_wait3A_60] : memref<40x128xi32, #tpu.memory_space<vmem>> -> memref<1x128xi32, #tpu.memory_space<vmem>>
          %dma_wait3A_62 = tpu.memref_squeeze %dma_wait3A_61 : memref<1x128xi32, #tpu.memory_space<vmem>> -> memref<128xi32, #tpu.memory_space<vmem>>
          %dma_wait3A_63 = arith.constant 0 : i32
          %dma_wait3A_64 = arith.constant 0 : i32
          %dma_wait3A_65 = tpu.memref_slice %arg13[%dma_wait3A_63, %dma_wait3A_64] : memref<10016x128xf32, #tpu.memory_space<vmem_shared>> -> memref<10016x128xf32, #tpu.memory_space<vmem_shared>>
          tpu.wait_indirect_dma semaphore(%run_scoped3A : memref<!tpu.dma_semaphore, #tpu.memory_space<semaphore_mem>>) src(%arg10 : memref<128x128xf32, #tpu.memory_space<vmem>>) dst(%dma_wait3A_65 : memref<10016x128xf32, #tpu.memory_space<vmem_shared>>)
          tpu.yield
        }) : () -> ()
      }
      %scan3A_24 = arith.constant 20 : i32
    }
    %scan3A_6 = arith.constant 4 : i32
    %barrier3A_7 = arith.constant 0 : index
    tpu.barrier barrier_id(%barrier3A_7)
    "tpu.region"() ({
      %run_scoped3A = tpu.sem_alloc : memref<!tpu.dma_semaphore, #tpu.memory_space<semaphore_mem>>
      %dma_start3A = arith.constant 0 : i32
      %dma_start3A_8 = tpu.memref_slice %arg6[%arg0, %min3A_1, %dma_start3A] : memref<2x10000x128xf32, #tpu.memory_space<hbm>> -> memref<1x640x128xf32, #tpu.memory_space<hbm>>
      %dma_start3A_9 = tpu.memref_squeeze %dma_start3A_8 : memref<1x640x128xf32, #tpu.memory_space<hbm>> -> memref<640x128xf32, #tpu.memory_space<hbm>>
      %dma_start3A_10 = arith.constant 0 : i32
      %dma_start3A_11 = tpu.memref_slice %arg13[%min3A_1, %dma_start3A_10] : memref<10016x128xf32, #tpu.memory_space<vmem_shared>> -> memref<640x128xf32, #tpu.memory_space<vmem_shared>>
      tpu.enqueue_dma source(%dma_start3A_11 : memref<640x128xf32, #tpu.memory_space<vmem_shared>>) target(%dma_start3A_9 : memref<640x128xf32, #tpu.memory_space<hbm>>) target_semaphore(%run_scoped3A : memref<!tpu.dma_semaphore, #tpu.memory_space<semaphore_mem>>)
      %dma_wait3A = arith.constant 0 : i32
      %dma_wait3A_12 = tpu.memref_slice %arg6[%arg0, %min3A_1, %dma_wait3A] : memref<2x10000x128xf32, #tpu.memory_space<hbm>> -> memref<1x640x128xf32, #tpu.memory_space<hbm>>
      %dma_wait3A_13 = tpu.memref_squeeze %dma_wait3A_12 : memref<1x640x128xf32, #tpu.memory_space<hbm>> -> memref<640x128xf32, #tpu.memory_space<hbm>>
      %dma_wait3A_14 = arith.constant 0 : i32
      %dma_wait3A_15 = tpu.memref_slice %arg13[%min3A_1, %dma_wait3A_14] : memref<10016x128xf32, #tpu.memory_space<vmem_shared>> -> memref<640x128xf32, #tpu.memory_space<vmem_shared>>
      tpu.wait_dma2 semaphore(%run_scoped3A : memref<!tpu.dma_semaphore, #tpu.memory_space<semaphore_mem>>) src(%dma_wait3A_15 : memref<640x128xf32, #tpu.memory_space<vmem_shared>>) dst(%dma_wait3A_13 : memref<640x128xf32, #tpu.memory_space<hbm>>)
      tpu.yield
    }) : () -> ()
    return
  }
}

#map = affine_map<(d0, d1) -> (0, 0, 0)>
#map1 = affine_map<(d0, d1) -> (0, 0)>
module attributes {stable_mosaic.version = 14 : i64} {
  func.func @_sc_degree(%arg0: i32, %arg1: i32, %arg2: memref<32x80x128xi32, #tpu.memory_space<hbm>>, %arg3: memref<128x128xf32, #tpu.memory_space<hbm>>, %arg4: memref<640x128xf32, #tpu.memory_space<hbm>>, %arg5: memref<2x10000x128xf32, #tpu.memory_space<hbm>>, %arg6: memref<80x128xi32, #tpu.memory_space<vmem>>, %arg7: memref<128x128xf32, #tpu.memory_space<vmem>>, %arg8: memref<10016x128xf32, #tpu.memory_space<vmem_shared>>) attributes {dimension_semantics = [#tpu.dimension_semantics<core_parallel>, #tpu.dimension_semantics<subcore_parallel>], iteration_bounds = array<i64: 2, 16>, scalar_prefetch = 0 : i64, scratch_operands = 3 : i64, tpu.core_type = #tpu.core_type<sc_vector_subcore>, window_params = [{transform_indices = #map}, {transform_indices = #map1}, {transform_indices = #map1}, {transform_indices = #map}]} {
    %mul3A = arith.constant 16 : i32
    %mul3A_0 = arith.muli %arg0, %mul3A : i32
    %add3A = arith.addi %mul3A_0, %arg1 : i32
    %mul3A_1 = arith.constant 640 : i32
    %mul3A_2 = arith.muli %arg1, %mul3A_1 : i32
    %min3A = arith.constant 9360 : i32
    %min3A_3 = arith.minsi %mul3A_2, %min3A : i32
    "tpu.region"() ({
      %run_scoped3A = tpu.sem_alloc : memref<!tpu.dma_semaphore, #tpu.memory_space<semaphore_mem>>
      %dma_start3A = arith.constant 0 : i32
      %dma_start3A_10 = tpu.memref_slice %arg8[%min3A_3, %dma_start3A] : memref<10016x128xf32, #tpu.memory_space<vmem_shared>> -> memref<640x128xf32, #tpu.memory_space<vmem_shared>>
      tpu.enqueue_dma source(%arg4 : memref<640x128xf32, #tpu.memory_space<hbm>>) target(%dma_start3A_10 : memref<640x128xf32, #tpu.memory_space<vmem_shared>>) target_semaphore(%run_scoped3A : memref<!tpu.dma_semaphore, #tpu.memory_space<semaphore_mem>>)
      %dma_wait3A = arith.constant 0 : i32
      %dma_wait3A_11 = tpu.memref_slice %arg8[%min3A_3, %dma_wait3A] : memref<10016x128xf32, #tpu.memory_space<vmem_shared>> -> memref<640x128xf32, #tpu.memory_space<vmem_shared>>
      tpu.wait_dma2 semaphore(%run_scoped3A : memref<!tpu.dma_semaphore, #tpu.memory_space<semaphore_mem>>) src(%arg4 : memref<640x128xf32, #tpu.memory_space<hbm>>) dst(%dma_wait3A_11 : memref<640x128xf32, #tpu.memory_space<vmem_shared>>)
      tpu.yield
    }) : () -> ()
    "tpu.region"() ({
      %run_scoped3A = tpu.sem_alloc : memref<!tpu.dma_semaphore, #tpu.memory_space<semaphore_mem>>
      tpu.enqueue_dma source(%arg3 : memref<128x128xf32, #tpu.memory_space<hbm>>) target(%arg7 : memref<128x128xf32, #tpu.memory_space<vmem>>) target_semaphore(%run_scoped3A : memref<!tpu.dma_semaphore, #tpu.memory_space<semaphore_mem>>)
      tpu.wait_dma2 semaphore(%run_scoped3A : memref<!tpu.dma_semaphore, #tpu.memory_space<semaphore_mem>>) src(%arg3 : memref<128x128xf32, #tpu.memory_space<hbm>>) dst(%arg7 : memref<128x128xf32, #tpu.memory_space<vmem>>)
      tpu.yield
    }) : () -> ()
    "tpu.region"() ({
      %run_scoped3A = tpu.sem_alloc : memref<!tpu.dma_semaphore, #tpu.memory_space<semaphore_mem>>
      %dma_start3A = arith.constant 0 : i32
      %dma_start3A_10 = arith.constant 0 : i32
      %dma_start3A_11 = tpu.memref_slice %arg2[%add3A, %dma_start3A, %dma_start3A_10] : memref<32x80x128xi32, #tpu.memory_space<hbm>> -> memref<1x80x128xi32, #tpu.memory_space<hbm>>
      %dma_start3A_12 = tpu.memref_squeeze %dma_start3A_11 : memref<1x80x128xi32, #tpu.memory_space<hbm>> -> memref<80x128xi32, #tpu.memory_space<hbm>>
      %dma_start3A_13 = arith.constant 0 : i32
      %dma_start3A_14 = arith.constant 0 : i32
      %dma_start3A_15 = tpu.memref_slice %arg2[%add3A, %dma_start3A_13, %dma_start3A_14] : memref<32x80x128xi32, #tpu.memory_space<hbm>> -> memref<1x80x128xi32, #tpu.memory_space<hbm>>
      %dma_start3A_16 = tpu.memref_squeeze %dma_start3A_15 : memref<1x80x128xi32, #tpu.memory_space<hbm>> -> memref<80x128xi32, #tpu.memory_space<hbm>>
      tpu.enqueue_dma source(%dma_start3A_16 : memref<80x128xi32, #tpu.memory_space<hbm>>) target(%arg6 : memref<80x128xi32, #tpu.memory_space<vmem>>) target_semaphore(%run_scoped3A : memref<!tpu.dma_semaphore, #tpu.memory_space<semaphore_mem>>)
      %dma_wait3A = arith.constant 0 : i32
      %dma_wait3A_17 = arith.constant 0 : i32
      %dma_wait3A_18 = tpu.memref_slice %arg2[%add3A, %dma_wait3A, %dma_wait3A_17] : memref<32x80x128xi32, #tpu.memory_space<hbm>> -> memref<1x80x128xi32, #tpu.memory_space<hbm>>
      %dma_wait3A_19 = tpu.memref_squeeze %dma_wait3A_18 : memref<1x80x128xi32, #tpu.memory_space<hbm>> -> memref<80x128xi32, #tpu.memory_space<hbm>>
      %dma_wait3A_20 = arith.constant 0 : i32
      %dma_wait3A_21 = arith.constant 0 : i32
      %dma_wait3A_22 = tpu.memref_slice %arg2[%add3A, %dma_wait3A_20, %dma_wait3A_21] : memref<32x80x128xi32, #tpu.memory_space<hbm>> -> memref<1x80x128xi32, #tpu.memory_space<hbm>>
      %dma_wait3A_23 = tpu.memref_squeeze %dma_wait3A_22 : memref<1x80x128xi32, #tpu.memory_space<hbm>> -> memref<80x128xi32, #tpu.memory_space<hbm>>
      tpu.wait_dma2 semaphore(%run_scoped3A : memref<!tpu.dma_semaphore, #tpu.memory_space<semaphore_mem>>) src(%dma_wait3A_23 : memref<80x128xi32, #tpu.memory_space<hbm>>) dst(%arg6 : memref<80x128xi32, #tpu.memory_space<vmem>>)
      tpu.yield
    }) : () -> ()
    %barrier3A = arith.constant 0 : index
    tpu.barrier barrier_id(%barrier3A)
    %scan3A = arith.constant 0 : i32
    %scan3A_4 = arith.constant 0 : i32
    %scan3A_5 = arith.constant 80 : i32
    %scan3A_6 = arith.addi %scan3A_4, %scan3A_5 : i32
    %scan3A_7 = arith.constant 1 : i32
    scf.for %scan3A_10 = %scan3A_4 to %scan3A_6 step %scan3A_7  : i32 {
      "tpu.region"() ({
        %run_scoped3A = tpu.sem_alloc : memref<!tpu.dma_semaphore, #tpu.memory_space<semaphore_mem>>
        %dma_start3A = arith.constant 0 : i32
        %dma_start3A_11 = tpu.memref_slice %arg6[%scan3A_10, %dma_start3A] : memref<80x128xi32, #tpu.memory_space<vmem>> -> memref<1x128xi32, #tpu.memory_space<vmem>>
        %dma_start3A_12 = tpu.memref_squeeze %dma_start3A_11 : memref<1x128xi32, #tpu.memory_space<vmem>> -> memref<128xi32, #tpu.memory_space<vmem>>
        %dma_start3A_13 = arith.constant 0 : i32
        %dma_start3A_14 = arith.constant 0 : i32
        %dma_start3A_15 = tpu.memref_slice %arg8[%dma_start3A_13, %dma_start3A_14] : memref<10016x128xf32, #tpu.memory_space<vmem_shared>> -> memref<10016x128xf32, #tpu.memory_space<vmem_shared>>
        tpu.enqueue_indirect_dma source(%arg7 : memref<128x128xf32, #tpu.memory_space<vmem>>) target(%dma_start3A_15 : memref<10016x128xf32, #tpu.memory_space<vmem_shared>>) offsets(%dma_start3A_12 : memref<128xi32, #tpu.memory_space<vmem>>) semaphore(%run_scoped3A : memref<!tpu.dma_semaphore, #tpu.memory_space<semaphore_mem>>) {add = true}
        %dma_wait3A = arith.constant 0 : i32
        %dma_wait3A_16 = tpu.memref_slice %arg6[%scan3A_10, %dma_wait3A] : memref<80x128xi32, #tpu.memory_space<vmem>> -> memref<1x128xi32, #tpu.memory_space<vmem>>
        %dma_wait3A_17 = tpu.memref_squeeze %dma_wait3A_16 : memref<1x128xi32, #tpu.memory_space<vmem>> -> memref<128xi32, #tpu.memory_space<vmem>>
        %dma_wait3A_18 = arith.constant 0 : i32
        %dma_wait3A_19 = arith.constant 0 : i32
        %dma_wait3A_20 = tpu.memref_slice %arg8[%dma_wait3A_18, %dma_wait3A_19] : memref<10016x128xf32, #tpu.memory_space<vmem_shared>> -> memref<10016x128xf32, #tpu.memory_space<vmem_shared>>
        tpu.wait_indirect_dma semaphore(%run_scoped3A : memref<!tpu.dma_semaphore, #tpu.memory_space<semaphore_mem>>) src(%arg7 : memref<128x128xf32, #tpu.memory_space<vmem>>) dst(%dma_wait3A_20 : memref<10016x128xf32, #tpu.memory_space<vmem_shared>>)
        tpu.yield
      }) : () -> ()
    }
    %scan3A_8 = arith.constant 80 : i32
    %barrier3A_9 = arith.constant 0 : index
    tpu.barrier barrier_id(%barrier3A_9)
    "tpu.region"() ({
      %run_scoped3A = tpu.sem_alloc : memref<!tpu.dma_semaphore, #tpu.memory_space<semaphore_mem>>
      %dma_start3A = arith.constant 0 : i32
      %dma_start3A_10 = tpu.memref_slice %arg5[%arg0, %min3A_3, %dma_start3A] : memref<2x10000x128xf32, #tpu.memory_space<hbm>> -> memref<1x640x128xf32, #tpu.memory_space<hbm>>
      %dma_start3A_11 = tpu.memref_squeeze %dma_start3A_10 : memref<1x640x128xf32, #tpu.memory_space<hbm>> -> memref<640x128xf32, #tpu.memory_space<hbm>>
      %dma_start3A_12 = arith.constant 0 : i32
      %dma_start3A_13 = tpu.memref_slice %arg8[%min3A_3, %dma_start3A_12] : memref<10016x128xf32, #tpu.memory_space<vmem_shared>> -> memref<640x128xf32, #tpu.memory_space<vmem_shared>>
      tpu.enqueue_dma source(%dma_start3A_13 : memref<640x128xf32, #tpu.memory_space<vmem_shared>>) target(%dma_start3A_11 : memref<640x128xf32, #tpu.memory_space<hbm>>) target_semaphore(%run_scoped3A : memref<!tpu.dma_semaphore, #tpu.memory_space<semaphore_mem>>)
      %dma_wait3A = arith.constant 0 : i32
      %dma_wait3A_14 = tpu.memref_slice %arg5[%arg0, %min3A_3, %dma_wait3A] : memref<2x10000x128xf32, #tpu.memory_space<hbm>> -> memref<1x640x128xf32, #tpu.memory_space<hbm>>
      %dma_wait3A_15 = tpu.memref_squeeze %dma_wait3A_14 : memref<1x640x128xf32, #tpu.memory_space<hbm>> -> memref<640x128xf32, #tpu.memory_space<hbm>>
      %dma_wait3A_16 = arith.constant 0 : i32
      %dma_wait3A_17 = tpu.memref_slice %arg8[%min3A_3, %dma_wait3A_16] : memref<10016x128xf32, #tpu.memory_space<vmem_shared>> -> memref<640x128xf32, #tpu.memory_space<vmem_shared>>
      tpu.wait_dma2 semaphore(%run_scoped3A : memref<!tpu.dma_semaphore, #tpu.memory_space<semaphore_mem>>) src(%dma_wait3A_17 : memref<640x128xf32, #tpu.memory_space<vmem_shared>>) dst(%dma_wait3A_15 : memref<640x128xf32, #tpu.memory_space<hbm>>)
      tpu.yield
    }) : () -> ()
    return
  }
}

#map = affine_map<(d0, d1) -> (0, 0)>
#map1 = affine_map<(d0, d1) -> (0, 0, 0)>
module attributes {stable_mosaic.version = 14 : i64} {
  func.func @_sc_agg2(%arg0: i32, %arg1: i32, %arg2: memref<10000x128xf32, #tpu.memory_space<hbm>>, %arg3: memref<32x80x128xi32, #tpu.memory_space<hbm>>, %arg4: memref<32x80x128xi32, #tpu.memory_space<hbm>>, %arg5: memref<640x128xf32, #tpu.memory_space<hbm>>, %arg6: memref<2x10000x128xf32, #tpu.memory_space<hbm>>, %arg7: memref<40x128xi32, #tpu.memory_space<vmem>>, %arg8: memref<40x128xi32, #tpu.memory_space<vmem>>, %arg9: memref<128x128xf32, #tpu.memory_space<vmem>>, %arg10: memref<128x128xf32, #tpu.memory_space<vmem>>, %arg11: memref<!tpu.dma_semaphore, #tpu.memory_space<semaphore_mem>>, %arg12: memref<!tpu.dma_semaphore, #tpu.memory_space<semaphore_mem>>, %arg13: memref<10016x128xf32, #tpu.memory_space<vmem_shared>>) attributes {dimension_semantics = [#tpu.dimension_semantics<core_parallel>, #tpu.dimension_semantics<subcore_parallel>], iteration_bounds = array<i64: 2, 16>, scalar_prefetch = 0 : i64, scratch_operands = 7 : i64, tpu.core_type = #tpu.core_type<sc_vector_subcore>, window_params = [{transform_indices = #map}, {transform_indices = #map1}, {transform_indices = #map1}, {transform_indices = #map}, {transform_indices = #map1}]} {
    %mul3A = arith.constant 640 : i32
    %mul3A_0 = arith.muli %arg1, %mul3A : i32
    %min3A = arith.constant 9360 : i32
    %min3A_1 = arith.minsi %mul3A_0, %min3A : i32
    "tpu.region"() ({
      %run_scoped3A = tpu.sem_alloc : memref<!tpu.dma_semaphore, #tpu.memory_space<semaphore_mem>>
      %dma_start3A = arith.constant 0 : i32
      %dma_start3A_8 = tpu.memref_slice %arg13[%min3A_1, %dma_start3A] : memref<10016x128xf32, #tpu.memory_space<vmem_shared>> -> memref<640x128xf32, #tpu.memory_space<vmem_shared>>
      tpu.enqueue_dma source(%arg5 : memref<640x128xf32, #tpu.memory_space<hbm>>) target(%dma_start3A_8 : memref<640x128xf32, #tpu.memory_space<vmem_shared>>) target_semaphore(%run_scoped3A : memref<!tpu.dma_semaphore, #tpu.memory_space<semaphore_mem>>)
      %dma_wait3A = arith.constant 0 : i32
      %dma_wait3A_9 = tpu.memref_slice %arg13[%min3A_1, %dma_wait3A] : memref<10016x128xf32, #tpu.memory_space<vmem_shared>> -> memref<640x128xf32, #tpu.memory_space<vmem_shared>>
      tpu.wait_dma2 semaphore(%run_scoped3A : memref<!tpu.dma_semaphore, #tpu.memory_space<semaphore_mem>>) src(%arg5 : memref<640x128xf32, #tpu.memory_space<hbm>>) dst(%dma_wait3A_9 : memref<640x128xf32, #tpu.memory_space<vmem_shared>>)
      tpu.yield
    }) : () -> ()
    %barrier3A = arith.constant 0 : index
    tpu.barrier barrier_id(%barrier3A)
    %scan3A = arith.constant 0 : i32
    %scan3A_2 = arith.constant 0 : i32
    %scan3A_3 = arith.constant 2 : i32
    %scan3A_4 = arith.addi %scan3A_2, %scan3A_3 : i32
    %scan3A_5 = arith.constant 1 : i32
    scf.for %scan3A_8 = %scan3A_2 to %scan3A_4 step %scan3A_5  : i32 {
      %mul3A_9 = arith.constant 16 : i32
      %mul3A_10 = arith.muli %arg0, %mul3A_9 : i32
      %add3A = arith.addi %mul3A_10, %arg1 : i32
      %mul3A_11 = arith.constant 40 : i32
      %mul3A_12 = arith.muli %scan3A_8, %mul3A_11 : i32
      "tpu.region"() ({
        %run_scoped3A = tpu.sem_alloc : memref<!tpu.dma_semaphore, #tpu.memory_space<semaphore_mem>>
        %dma_start3A_30 = arith.constant 0 : i32
        %dma_start3A_31 = tpu.memref_slice %arg3[%add3A, %mul3A_12, %dma_start3A_30] : memref<32x80x128xi32, #tpu.memory_space<hbm>> -> memref<1x40x128xi32, #tpu.memory_space<hbm>>
        %dma_start3A_32 = tpu.memref_squeeze %dma_start3A_31 : memref<1x40x128xi32, #tpu.memory_space<hbm>> -> memref<40x128xi32, #tpu.memory_space<hbm>>
        %dma_start3A_33 = arith.constant 0 : i32
        %dma_start3A_34 = tpu.memref_slice %arg3[%add3A, %mul3A_12, %dma_start3A_33] : memref<32x80x128xi32, #tpu.memory_space<hbm>> -> memref<1x40x128xi32, #tpu.memory_space<hbm>>
        %dma_start3A_35 = tpu.memref_squeeze %dma_start3A_34 : memref<1x40x128xi32, #tpu.memory_space<hbm>> -> memref<40x128xi32, #tpu.memory_space<hbm>>
        tpu.enqueue_dma source(%dma_start3A_35 : memref<40x128xi32, #tpu.memory_space<hbm>>) target(%arg7 : memref<40x128xi32, #tpu.memory_space<vmem>>) target_semaphore(%run_scoped3A : memref<!tpu.dma_semaphore, #tpu.memory_space<semaphore_mem>>)
        %dma_wait3A = arith.constant 0 : i32
        %dma_wait3A_36 = tpu.memref_slice %arg3[%add3A, %mul3A_12, %dma_wait3A] : memref<32x80x128xi32, #tpu.memory_space<hbm>> -> memref<1x40x128xi32, #tpu.memory_space<hbm>>
        %dma_wait3A_37 = tpu.memref_squeeze %dma_wait3A_36 : memref<1x40x128xi32, #tpu.memory_space<hbm>> -> memref<40x128xi32, #tpu.memory_space<hbm>>
        %dma_wait3A_38 = arith.constant 0 : i32
        %dma_wait3A_39 = tpu.memref_slice %arg3[%add3A, %mul3A_12, %dma_wait3A_38] : memref<32x80x128xi32, #tpu.memory_space<hbm>> -> memref<1x40x128xi32, #tpu.memory_space<hbm>>
        %dma_wait3A_40 = tpu.memref_squeeze %dma_wait3A_39 : memref<1x40x128xi32, #tpu.memory_space<hbm>> -> memref<40x128xi32, #tpu.memory_space<hbm>>
        tpu.wait_dma2 semaphore(%run_scoped3A : memref<!tpu.dma_semaphore, #tpu.memory_space<semaphore_mem>>) src(%dma_wait3A_40 : memref<40x128xi32, #tpu.memory_space<hbm>>) dst(%arg7 : memref<40x128xi32, #tpu.memory_space<vmem>>)
        tpu.yield
      }) : () -> ()
      %mul3A_13 = arith.constant 16 : i32
      %mul3A_14 = arith.muli %arg0, %mul3A_13 : i32
      %add3A_15 = arith.addi %mul3A_14, %arg1 : i32
      %mul3A_16 = arith.constant 40 : i32
      %mul3A_17 = arith.muli %scan3A_8, %mul3A_16 : i32
      "tpu.region"() ({
        %run_scoped3A = tpu.sem_alloc : memref<!tpu.dma_semaphore, #tpu.memory_space<semaphore_mem>>
        %dma_start3A_30 = arith.constant 0 : i32
        %dma_start3A_31 = tpu.memref_slice %arg4[%add3A_15, %mul3A_17, %dma_start3A_30] : memref<32x80x128xi32, #tpu.memory_space<hbm>> -> memref<1x40x128xi32, #tpu.memory_space<hbm>>
        %dma_start3A_32 = tpu.memref_squeeze %dma_start3A_31 : memref<1x40x128xi32, #tpu.memory_space<hbm>> -> memref<40x128xi32, #tpu.memory_space<hbm>>
        %dma_start3A_33 = arith.constant 0 : i32
        %dma_start3A_34 = tpu.memref_slice %arg4[%add3A_15, %mul3A_17, %dma_start3A_33] : memref<32x80x128xi32, #tpu.memory_space<hbm>> -> memref<1x40x128xi32, #tpu.memory_space<hbm>>
        %dma_start3A_35 = tpu.memref_squeeze %dma_start3A_34 : memref<1x40x128xi32, #tpu.memory_space<hbm>> -> memref<40x128xi32, #tpu.memory_space<hbm>>
        tpu.enqueue_dma source(%dma_start3A_35 : memref<40x128xi32, #tpu.memory_space<hbm>>) target(%arg8 : memref<40x128xi32, #tpu.memory_space<vmem>>) target_semaphore(%run_scoped3A : memref<!tpu.dma_semaphore, #tpu.memory_space<semaphore_mem>>)
        %dma_wait3A = arith.constant 0 : i32
        %dma_wait3A_36 = tpu.memref_slice %arg4[%add3A_15, %mul3A_17, %dma_wait3A] : memref<32x80x128xi32, #tpu.memory_space<hbm>> -> memref<1x40x128xi32, #tpu.memory_space<hbm>>
        %dma_wait3A_37 = tpu.memref_squeeze %dma_wait3A_36 : memref<1x40x128xi32, #tpu.memory_space<hbm>> -> memref<40x128xi32, #tpu.memory_space<hbm>>
        %dma_wait3A_38 = arith.constant 0 : i32
        %dma_wait3A_39 = tpu.memref_slice %arg4[%add3A_15, %mul3A_17, %dma_wait3A_38] : memref<32x80x128xi32, #tpu.memory_space<hbm>> -> memref<1x40x128xi32, #tpu.memory_space<hbm>>
        %dma_wait3A_40 = tpu.memref_squeeze %dma_wait3A_39 : memref<1x40x128xi32, #tpu.memory_space<hbm>> -> memref<40x128xi32, #tpu.memory_space<hbm>>
        tpu.wait_dma2 semaphore(%run_scoped3A : memref<!tpu.dma_semaphore, #tpu.memory_space<semaphore_mem>>) src(%dma_wait3A_40 : memref<40x128xi32, #tpu.memory_space<hbm>>) dst(%arg8 : memref<40x128xi32, #tpu.memory_space<vmem>>)
        tpu.yield
      }) : () -> ()
      %dma_start3A = arith.constant 0 : i32
      %dma_start3A_18 = arith.constant 0 : i32
      %dma_start3A_19 = tpu.memref_slice %arg7[%dma_start3A, %dma_start3A_18] : memref<40x128xi32, #tpu.memory_space<vmem>> -> memref<1x128xi32, #tpu.memory_space<vmem>>
      %dma_start3A_20 = tpu.memref_squeeze %dma_start3A_19 : memref<1x128xi32, #tpu.memory_space<vmem>> -> memref<128xi32, #tpu.memory_space<vmem>>
      %dma_start3A_21 = arith.constant 0 : i32
      %dma_start3A_22 = arith.constant 0 : i32
      %dma_start3A_23 = tpu.memref_slice %arg2[%dma_start3A_21, %dma_start3A_22] : memref<10000x128xf32, #tpu.memory_space<hbm>> -> memref<10000x128xf32, #tpu.memory_space<hbm>>
      tpu.enqueue_indirect_dma source(%dma_start3A_23 : memref<10000x128xf32, #tpu.memory_space<hbm>>) target(%arg9 : memref<128x128xf32, #tpu.memory_space<vmem>>) offsets(%dma_start3A_20 : memref<128xi32, #tpu.memory_space<vmem>>) semaphore(%arg11 : memref<!tpu.dma_semaphore, #tpu.memory_space<semaphore_mem>>)
      %scan3A_24 = arith.constant 0 : i32
      %scan3A_25 = arith.constant 0 : i32
      %scan3A_26 = arith.constant 20 : i32
      %scan3A_27 = arith.addi %scan3A_25, %scan3A_26 : i32
      %scan3A_28 = arith.constant 1 : i32
      scf.for %scan3A_30 = %scan3A_25 to %scan3A_27 step %scan3A_28  : i32 {
        %mul3A_31 = arith.constant 2 : i32
        %mul3A_32 = arith.muli %scan3A_30, %mul3A_31 : i32
        %add3A_33 = arith.constant 1 : i32
        %add3A_34 = arith.addi %mul3A_32, %add3A_33 : i32
        %dma_start3A_35 = arith.constant 0 : i32
        %dma_start3A_36 = tpu.memref_slice %arg7[%add3A_34, %dma_start3A_35] : memref<40x128xi32, #tpu.memory_space<vmem>> -> memref<1x128xi32, #tpu.memory_space<vmem>>
        %dma_start3A_37 = tpu.memref_squeeze %dma_start3A_36 : memref<1x128xi32, #tpu.memory_space<vmem>> -> memref<128xi32, #tpu.memory_space<vmem>>
        %dma_start3A_38 = arith.constant 0 : i32
        %dma_start3A_39 = arith.constant 0 : i32
        %dma_start3A_40 = tpu.memref_slice %arg2[%dma_start3A_38, %dma_start3A_39] : memref<10000x128xf32, #tpu.memory_space<hbm>> -> memref<10000x128xf32, #tpu.memory_space<hbm>>
        tpu.enqueue_indirect_dma source(%dma_start3A_40 : memref<10000x128xf32, #tpu.memory_space<hbm>>) target(%arg10 : memref<128x128xf32, #tpu.memory_space<vmem>>) offsets(%dma_start3A_37 : memref<128xi32, #tpu.memory_space<vmem>>) semaphore(%arg12 : memref<!tpu.dma_semaphore, #tpu.memory_space<semaphore_mem>>)
        %dma_wait3A = arith.constant 0 : i32
        %dma_wait3A_41 = tpu.memref_slice %arg7[%mul3A_32, %dma_wait3A] : memref<40x128xi32, #tpu.memory_space<vmem>> -> memref<1x128xi32, #tpu.memory_space<vmem>>
        %dma_wait3A_42 = tpu.memref_squeeze %dma_wait3A_41 : memref<1x128xi32, #tpu.memory_space<vmem>> -> memref<128xi32, #tpu.memory_space<vmem>>
        %dma_wait3A_43 = arith.constant 0 : i32
        %dma_wait3A_44 = arith.constant 0 : i32
        %dma_wait3A_45 = tpu.memref_slice %arg2[%dma_wait3A_43, %dma_wait3A_44] : memref<10000x128xf32, #tpu.memory_space<hbm>> -> memref<10000x128xf32, #tpu.memory_space<hbm>>
        tpu.wait_indirect_dma semaphore(%arg11 : memref<!tpu.dma_semaphore, #tpu.memory_space<semaphore_mem>>) src(%dma_wait3A_45 : memref<10000x128xf32, #tpu.memory_space<hbm>>) dst(%arg9 : memref<128x128xf32, #tpu.memory_space<vmem>>)
        "tpu.region"() ({
          %run_scoped3A = tpu.sem_alloc : memref<!tpu.dma_semaphore, #tpu.memory_space<semaphore_mem>>
          %dma_start3A_60 = arith.constant 0 : i32
          %dma_start3A_61 = tpu.memref_slice %arg8[%mul3A_32, %dma_start3A_60] : memref<40x128xi32, #tpu.memory_space<vmem>> -> memref<1x128xi32, #tpu.memory_space<vmem>>
          %dma_start3A_62 = tpu.memref_squeeze %dma_start3A_61 : memref<1x128xi32, #tpu.memory_space<vmem>> -> memref<128xi32, #tpu.memory_space<vmem>>
          %dma_start3A_63 = arith.constant 0 : i32
          %dma_start3A_64 = arith.constant 0 : i32
          %dma_start3A_65 = tpu.memref_slice %arg13[%dma_start3A_63, %dma_start3A_64] : memref<10016x128xf32, #tpu.memory_space<vmem_shared>> -> memref<10016x128xf32, #tpu.memory_space<vmem_shared>>
          tpu.enqueue_indirect_dma source(%arg9 : memref<128x128xf32, #tpu.memory_space<vmem>>) target(%dma_start3A_65 : memref<10016x128xf32, #tpu.memory_space<vmem_shared>>) offsets(%dma_start3A_62 : memref<128xi32, #tpu.memory_space<vmem>>) semaphore(%run_scoped3A : memref<!tpu.dma_semaphore, #tpu.memory_space<semaphore_mem>>) {add = true}
          %dma_wait3A_66 = arith.constant 0 : i32
          %dma_wait3A_67 = tpu.memref_slice %arg8[%mul3A_32, %dma_wait3A_66] : memref<40x128xi32, #tpu.memory_space<vmem>> -> memref<1x128xi32, #tpu.memory_space<vmem>>
          %dma_wait3A_68 = tpu.memref_squeeze %dma_wait3A_67 : memref<1x128xi32, #tpu.memory_space<vmem>> -> memref<128xi32, #tpu.memory_space<vmem>>
          %dma_wait3A_69 = arith.constant 0 : i32
          %dma_wait3A_70 = arith.constant 0 : i32
          %dma_wait3A_71 = tpu.memref_slice %arg13[%dma_wait3A_69, %dma_wait3A_70] : memref<10016x128xf32, #tpu.memory_space<vmem_shared>> -> memref<10016x128xf32, #tpu.memory_space<vmem_shared>>
          tpu.wait_indirect_dma semaphore(%run_scoped3A : memref<!tpu.dma_semaphore, #tpu.memory_space<semaphore_mem>>) src(%arg9 : memref<128x128xf32, #tpu.memory_space<vmem>>) dst(%dma_wait3A_71 : memref<10016x128xf32, #tpu.memory_space<vmem_shared>>)
          tpu.yield
        }) : () -> ()
        %add3A_46 = arith.constant 1 : i32
        %add3A_47 = arith.addi %scan3A_30, %add3A_46 : i32
        %lt3A = arith.constant 20 : i32
        %lt3A_48 = arith.cmpi slt, %add3A_47, %lt3A : i32
        %convert_element_type3A = arith.extui %lt3A_48 : i1 to i32
        %cond3A = arith.constant 0 : i32
        %cond3A_49 = arith.cmpi ne, %convert_element_type3A, %cond3A : i32
        scf.if %cond3A_49 {
          %add3A_60 = arith.constant 2 : i32
          %add3A_61 = arith.addi %mul3A_32, %add3A_60 : i32
          %dma_start3A_62 = arith.constant 0 : i32
          %dma_start3A_63 = tpu.memref_slice %arg7[%add3A_61, %dma_start3A_62] : memref<40x128xi32, #tpu.memory_space<vmem>> -> memref<1x128xi32, #tpu.memory_space<vmem>>
          %dma_start3A_64 = tpu.memref_squeeze %dma_start3A_63 : memref<1x128xi32, #tpu.memory_space<vmem>> -> memref<128xi32, #tpu.memory_space<vmem>>
          %dma_start3A_65 = arith.constant 0 : i32
          %dma_start3A_66 = arith.constant 0 : i32
          %dma_start3A_67 = tpu.memref_slice %arg2[%dma_start3A_65, %dma_start3A_66] : memref<10000x128xf32, #tpu.memory_space<hbm>> -> memref<10000x128xf32, #tpu.memory_space<hbm>>
          tpu.enqueue_indirect_dma source(%dma_start3A_67 : memref<10000x128xf32, #tpu.memory_space<hbm>>) target(%arg9 : memref<128x128xf32, #tpu.memory_space<vmem>>) offsets(%dma_start3A_64 : memref<128xi32, #tpu.memory_space<vmem>>) semaphore(%arg11 : memref<!tpu.dma_semaphore, #tpu.memory_space<semaphore_mem>>)
        } else {
        }
        %add3A_50 = arith.constant 1 : i32
        %add3A_51 = arith.addi %mul3A_32, %add3A_50 : i32
        %dma_wait3A_52 = arith.constant 0 : i32
        %dma_wait3A_53 = tpu.memref_slice %arg7[%add3A_51, %dma_wait3A_52] : memref<40x128xi32, #tpu.memory_space<vmem>> -> memref<1x128xi32, #tpu.memory_space<vmem>>
        %dma_wait3A_54 = tpu.memref_squeeze %dma_wait3A_53 : memref<1x128xi32, #tpu.memory_space<vmem>> -> memref<128xi32, #tpu.memory_space<vmem>>
        %dma_wait3A_55 = arith.constant 0 : i32
        %dma_wait3A_56 = arith.constant 0 : i32
        %dma_wait3A_57 = tpu.memref_slice %arg2[%dma_wait3A_55, %dma_wait3A_56] : memref<10000x128xf32, #tpu.memory_space<hbm>> -> memref<10000x128xf32, #tpu.memory_space<hbm>>
        tpu.wait_indirect_dma semaphore(%arg12 : memref<!tpu.dma_semaphore, #tpu.memory_space<semaphore_mem>>) src(%dma_wait3A_57 : memref<10000x128xf32, #tpu.memory_space<hbm>>) dst(%arg10 : memref<128x128xf32, #tpu.memory_space<vmem>>)
        %add3A_58 = arith.constant 1 : i32
        %add3A_59 = arith.addi %mul3A_32, %add3A_58 : i32
        "tpu.region"() ({
          %run_scoped3A = tpu.sem_alloc : memref<!tpu.dma_semaphore, #tpu.memory_space<semaphore_mem>>
          %dma_start3A_60 = arith.constant 0 : i32
          %dma_start3A_61 = tpu.memref_slice %arg8[%add3A_59, %dma_start3A_60] : memref<40x128xi32, #tpu.memory_space<vmem>> -> memref<1x128xi32, #tpu.memory_space<vmem>>
          %dma_start3A_62 = tpu.memref_squeeze %dma_start3A_61 : memref<1x128xi32, #tpu.memory_space<vmem>> -> memref<128xi32, #tpu.memory_space<vmem>>
          %dma_start3A_63 = arith.constant 0 : i32
          %dma_start3A_64 = arith.constant 0 : i32
          %dma_start3A_65 = tpu.memref_slice %arg13[%dma_start3A_63, %dma_start3A_64] : memref<10016x128xf32, #tpu.memory_space<vmem_shared>> -> memref<10016x128xf32, #tpu.memory_space<vmem_shared>>
          tpu.enqueue_indirect_dma source(%arg10 : memref<128x128xf32, #tpu.memory_space<vmem>>) target(%dma_start3A_65 : memref<10016x128xf32, #tpu.memory_space<vmem_shared>>) offsets(%dma_start3A_62 : memref<128xi32, #tpu.memory_space<vmem>>) semaphore(%run_scoped3A : memref<!tpu.dma_semaphore, #tpu.memory_space<semaphore_mem>>) {add = true}
          %dma_wait3A_66 = arith.constant 0 : i32
          %dma_wait3A_67 = tpu.memref_slice %arg8[%add3A_59, %dma_wait3A_66] : memref<40x128xi32, #tpu.memory_space<vmem>> -> memref<1x128xi32, #tpu.memory_space<vmem>>
          %dma_wait3A_68 = tpu.memref_squeeze %dma_wait3A_67 : memref<1x128xi32, #tpu.memory_space<vmem>> -> memref<128xi32, #tpu.memory_space<vmem>>
          %dma_wait3A_69 = arith.constant 0 : i32
          %dma_wait3A_70 = arith.constant 0 : i32
          %dma_wait3A_71 = tpu.memref_slice %arg13[%dma_wait3A_69, %dma_wait3A_70] : memref<10016x128xf32, #tpu.memory_space<vmem_shared>> -> memref<10016x128xf32, #tpu.memory_space<vmem_shared>>
          tpu.wait_indirect_dma semaphore(%run_scoped3A : memref<!tpu.dma_semaphore, #tpu.memory_space<semaphore_mem>>) src(%arg10 : memref<128x128xf32, #tpu.memory_space<vmem>>) dst(%dma_wait3A_71 : memref<10016x128xf32, #tpu.memory_space<vmem_shared>>)
          tpu.yield
        }) : () -> ()
      }
      %scan3A_29 = arith.constant 20 : i32
    }
    %scan3A_6 = arith.constant 2 : i32
    %barrier3A_7 = arith.constant 0 : index
    tpu.barrier barrier_id(%barrier3A_7)
    "tpu.region"() ({
      %run_scoped3A = tpu.sem_alloc : memref<!tpu.dma_semaphore, #tpu.memory_space<semaphore_mem>>
      %dma_start3A = arith.constant 0 : i32
      %dma_start3A_8 = tpu.memref_slice %arg6[%arg0, %min3A_1, %dma_start3A] : memref<2x10000x128xf32, #tpu.memory_space<hbm>> -> memref<1x640x128xf32, #tpu.memory_space<hbm>>
      %dma_start3A_9 = tpu.memref_squeeze %dma_start3A_8 : memref<1x640x128xf32, #tpu.memory_space<hbm>> -> memref<640x128xf32, #tpu.memory_space<hbm>>
      %dma_start3A_10 = arith.constant 0 : i32
      %dma_start3A_11 = tpu.memref_slice %arg13[%min3A_1, %dma_start3A_10] : memref<10016x128xf32, #tpu.memory_space<vmem_shared>> -> memref<640x128xf32, #tpu.memory_space<vmem_shared>>
      tpu.enqueue_dma source(%dma_start3A_11 : memref<640x128xf32, #tpu.memory_space<vmem_shared>>) target(%dma_start3A_9 : memref<640x128xf32, #tpu.memory_space<hbm>>) target_semaphore(%run_scoped3A : memref<!tpu.dma_semaphore, #tpu.memory_space<semaphore_mem>>)
      %dma_wait3A = arith.constant 0 : i32
      %dma_wait3A_12 = tpu.memref_slice %arg6[%arg0, %min3A_1, %dma_wait3A] : memref<2x10000x128xf32, #tpu.memory_space<hbm>> -> memref<1x640x128xf32, #tpu.memory_space<hbm>>
      %dma_wait3A_13 = tpu.memref_squeeze %dma_wait3A_12 : memref<1x640x128xf32, #tpu.memory_space<hbm>> -> memref<640x128xf32, #tpu.memory_space<hbm>>
      %dma_wait3A_14 = arith.constant 0 : i32
      %dma_wait3A_15 = tpu.memref_slice %arg13[%min3A_1, %dma_wait3A_14] : memref<10016x128xf32, #tpu.memory_space<vmem_shared>> -> memref<640x128xf32, #tpu.memory_space<vmem_shared>>
      tpu.wait_dma2 semaphore(%run_scoped3A : memref<!tpu.dma_semaphore, #tpu.memory_space<semaphore_mem>>) src(%dma_wait3A_15 : memref<640x128xf32, #tpu.memory_space<vmem_shared>>) dst(%dma_wait3A_13 : memref<640x128xf32, #tpu.memory_space<hbm>>)
      tpu.yield
    }) : () -> ()
    return
  }
}

module attributes {stable_mosaic.version = 14 : i64} {
  func.func @_tc1_body(%arg0: i32, %arg1: memref<2000x128xf32, #tpu.memory_space<vmem>>, %arg2: memref<128x256xf32, #tpu.memory_space<vmem>>, %arg3: memref<2x2000x128xf32, #tpu.memory_space<vmem>>, %arg4: memref<2x2000x128xf32, #tpu.memory_space<vmem>>, %arg5: memref<2000x1xf32, #tpu.memory_space<vmem>>) attributes {dimension_semantics = [#tpu.dimension_semantics<arbitrary>], iteration_bounds = array<i64: 5>, scalar_prefetch = 0 : i64, scratch_operands = 0 : i64, tpu.core_type = #tpu.core_type<tc>, window_params = [{transform_indices = @transform_0, window_bounds = array<i64: 2000, 128>}, {pipeline_mode = #tpu.pipeline_mode<synchronous>, transform_indices = @transform_1, window_bounds = array<i64: 128, 256>}, {transform_indices = @transform_2, window_bounds = array<i64: 2, 2000, 128>}, {transform_indices = @transform_3, window_bounds = array<i64: 2, 2000, 128>}, {transform_indices = @transform_4, window_bounds = array<i64: 2000, 1>}]} {
    %get3A = arith.constant 0 : index
    %get3A_0 = arith.constant 0 : index
    %get3A_1 = vector.load %arg1[%get3A, %get3A_0] : memref<2000x128xf32, #tpu.memory_space<vmem>>, vector<2000x128xf32>
    %get3A_2 = arith.constant 0 : index
    %get3A_3 = arith.constant 0 : index
    %get3A_4 = vector.load %arg2[%get3A_2, %get3A_3] : memref<128x256xf32, #tpu.memory_space<vmem>>, vector<128x256xf32>
    %dot_general3A = arith.constant dense<0.000000e+00> : vector<2000x256xf32>
    %dot_general3A_5 = tpu.matmul %get3A_1, %get3A_4, %dot_general3A {dimension_numbers = #tpu.dot_dimension_numbers<[1], [0], [0], [1], [0, 0, 1, 1], [], []>, transpose_lhs_hint = false} : vector<2000x128xf32>, vector<128x256xf32>, vector<2000x256xf32> -> vector<2000x256xf32>
    %get3A_6 = arith.constant 0 : index
    %get3A_7 = arith.constant 0 : index
    %get3A_8 = arith.constant 0 : index
    %get3A_9 = vector.load %arg3[%get3A_6, %get3A_7, %get3A_8] : memref<2x2000x128xf32, #tpu.memory_space<vmem>>, vector<1x2000x1xf32>
    %get3A_10 = vector.shape_cast %get3A_9 : vector<1x2000x1xf32> to vector<2000x1xf32>
    %add3A = arith.constant 1.000000e+00 : f32
    %add3A_11 = vector.broadcast %add3A : f32 to vector<2000x1xf32>
    %add3A_12 = arith.addf %add3A_11, %get3A_10 : vector<2000x1xf32>
    %get3A_13 = arith.constant 1 : index
    %get3A_14 = arith.constant 0 : index
    %get3A_15 = arith.constant 0 : index
    %get3A_16 = vector.load %arg3[%get3A_13, %get3A_14, %get3A_15] : memref<2x2000x128xf32, #tpu.memory_space<vmem>>, vector<1x2000x1xf32>
    %get3A_17 = vector.shape_cast %get3A_16 : vector<1x2000x1xf32> to vector<2000x1xf32>
    %add3A_18 = arith.addf %add3A_12, %get3A_17 : vector<2000x1xf32>
    %rsqrt3A = math.rsqrt %add3A_18 : vector<2000x1xf32>
    %swap3A = arith.constant 0 : index
    %swap3A_19 = arith.constant 0 : index
    %swap3A_20 = vector.load %arg5[%swap3A, %swap3A_19] : memref<2000x1xf32, #tpu.memory_space<vmem>>, vector<2000x1xf32>
    tpu.vector_store %arg5[%swap3A, %swap3A_19], %rsqrt3A {strides = array<i32>} : memref<2000x1xf32, #tpu.memory_space<vmem>>, vector<2000x1xf32>,
    %mul3A = vector.broadcast %rsqrt3A : vector<2000x1xf32> to vector<2000x256xf32>
    %mul3A_21 = arith.mulf %dot_general3A_5, %mul3A : vector<2000x256xf32>
    %slice3A = vector.extract_strided_slice %mul3A_21 {offsets = [0, 0], sizes = [2000, 128], strides = [1, 1]} : vector<2000x256xf32> to vector<2000x128xf32>
    %swap3A_22 = arith.constant 0 : index
    %swap3A_23 = arith.constant 0 : index
    %swap3A_24 = arith.constant 0 : index
    %swap3A_25 = vector.load %arg4[%swap3A_22, %swap3A_23, %swap3A_24] : memref<2x2000x128xf32, #tpu.memory_space<vmem>>, vector<1x2000x128xf32>
    %swap3A_26 = vector.shape_cast %swap3A_25 : vector<1x2000x128xf32> to vector<2000x128xf32>
    %swap3A_27 = vector.shape_cast %slice3A : vector<2000x128xf32> to vector<1x2000x128xf32>
    tpu.vector_store %arg4[%swap3A_22, %swap3A_23, %swap3A_24], %swap3A_27 {strides = array<i32>} : memref<2x2000x128xf32, #tpu.memory_space<vmem>>, vector<1x2000x128xf32>,
    %slice3A_28 = vector.extract_strided_slice %mul3A_21 {offsets = [0, 128], sizes = [2000, 128], strides = [1, 1]} : vector<2000x256xf32> to vector<2000x128xf32>
    %swap3A_29 = arith.constant 1 : index
    %swap3A_30 = arith.constant 0 : index
    %swap3A_31 = arith.constant 0 : index
    %swap3A_32 = vector.load %arg4[%swap3A_29, %swap3A_30, %swap3A_31] : memref<2x2000x128xf32, #tpu.memory_space<vmem>>, vector<1x2000x128xf32>
    %swap3A_33 = vector.shape_cast %swap3A_32 : vector<1x2000x128xf32> to vector<2000x128xf32>
    %swap3A_34 = vector.shape_cast %slice3A_28 : vector<2000x128xf32> to vector<1x2000x128xf32>
    tpu.vector_store %arg4[%swap3A_29, %swap3A_30, %swap3A_31], %swap3A_34 {strides = array<i32>} : memref<2x2000x128xf32, #tpu.memory_space<vmem>>, vector<1x2000x128xf32>,
    return
  }
  func.func @transform_0(%arg0: i32) -> (i32, i32) {
    %c0_i32 = arith.constant 0 : i32
    %c0_i32_0 = arith.constant 0 : i32
    return %arg0, %c0_i32 : i32, i32
  }
  func.func @transform_1(%arg0: i32) -> (i32, i32) {
    %c0_i32 = arith.constant 0 : i32
    %c0_i32_0 = arith.constant 0 : i32
    %c0_i32_1 = arith.constant 0 : i32
    return %c0_i32, %c0_i32_0 : i32, i32
  }
  func.func @transform_2(%arg0: i32) -> (i32, i32, i32) {
    %c0_i32 = arith.constant 0 : i32
    %c0_i32_0 = arith.constant 0 : i32
    %c0_i32_1 = arith.constant 0 : i32
    return %c0_i32, %arg0, %c0_i32_0 : i32, i32, i32
  }
  func.func @transform_3(%arg0: i32) -> (i32, i32, i32) {
    %c0_i32 = arith.constant 0 : i32
    %c0_i32_0 = arith.constant 0 : i32
    %c0_i32_1 = arith.constant 0 : i32
    return %c0_i32, %arg0, %c0_i32_0 : i32, i32, i32
  }
  func.func @transform_4(%arg0: i32) -> (i32, i32) {
    %c0_i32 = arith.constant 0 : i32
    %c0_i32_0 = arith.constant 0 : i32
    return %arg0, %c0_i32 : i32, i32
  }
}

module attributes {stable_mosaic.version = 14 : i64} {
  func.func @_tc2_body(%arg0: i32, %arg1: memref<2x2000x128xf32, #tpu.memory_space<vmem>>, %arg2: memref<2x2000x128xf32, #tpu.memory_space<vmem>>, %arg3: memref<2000x1xf32, #tpu.memory_space<vmem>>, %arg4: memref<1x256xf32, #tpu.memory_space<vmem>>, %arg5: memref<256x128xf32, #tpu.memory_space<vmem>>, %arg6: memref<2000x128xf32, #tpu.memory_space<vmem>>) attributes {dimension_semantics = [#tpu.dimension_semantics<arbitrary>], iteration_bounds = array<i64: 5>, scalar_prefetch = 0 : i64, scratch_operands = 0 : i64, tpu.core_type = #tpu.core_type<tc>, window_params = [{transform_indices = @transform_0, window_bounds = array<i64: 2, 2000, 128>}, {transform_indices = @transform_1, window_bounds = array<i64: 2, 2000, 128>}, {transform_indices = @transform_2, window_bounds = array<i64: 2000, 1>}, {pipeline_mode = #tpu.pipeline_mode<synchronous>, transform_indices = @transform_3, window_bounds = array<i64: 1, 256>}, {pipeline_mode = #tpu.pipeline_mode<synchronous>, transform_indices = @transform_4, window_bounds = array<i64: 256, 128>}, {transform_indices = @transform_5, window_bounds = array<i64: 2000, 128>}]} {
    %get3A = arith.constant 0 : index
    %get3A_0 = arith.constant 0 : index
    %get3A_1 = vector.load %arg3[%get3A, %get3A_0] : memref<2000x1xf32, #tpu.memory_space<vmem>>, vector<2000x1xf32>
    %get3A_2 = arith.constant 0 : index
    %get3A_3 = arith.constant 0 : index
    %get3A_4 = arith.constant 0 : index
    %get3A_5 = vector.load %arg1[%get3A_2, %get3A_3, %get3A_4] : memref<2x2000x128xf32, #tpu.memory_space<vmem>>, vector<1x2000x128xf32>
    %get3A_6 = vector.shape_cast %get3A_5 : vector<1x2000x128xf32> to vector<2000x128xf32>
    %get3A_7 = arith.constant 0 : index
    %get3A_8 = arith.constant 0 : index
    %get3A_9 = arith.constant 0 : index
    %get3A_10 = vector.load %arg2[%get3A_7, %get3A_8, %get3A_9] : memref<2x2000x128xf32, #tpu.memory_space<vmem>>, vector<1x2000x128xf32>
    %get3A_11 = vector.shape_cast %get3A_10 : vector<1x2000x128xf32> to vector<2000x128xf32>
    %add3A = arith.addf %get3A_6, %get3A_11 : vector<2000x128xf32>
    %get3A_12 = arith.constant 1 : index
    %get3A_13 = arith.constant 0 : index
    %get3A_14 = arith.constant 0 : index
    %get3A_15 = vector.load %arg1[%get3A_12, %get3A_13, %get3A_14] : memref<2x2000x128xf32, #tpu.memory_space<vmem>>, vector<1x2000x128xf32>
    %get3A_16 = vector.shape_cast %get3A_15 : vector<1x2000x128xf32> to vector<2000x128xf32>
    %get3A_17 = arith.constant 1 : index
    %get3A_18 = arith.constant 0 : index
    %get3A_19 = arith.constant 0 : index
    %get3A_20 = vector.load %arg2[%get3A_17, %get3A_18, %get3A_19] : memref<2x2000x128xf32, #tpu.memory_space<vmem>>, vector<1x2000x128xf32>
    %get3A_21 = vector.shape_cast %get3A_20 : vector<1x2000x128xf32> to vector<2000x128xf32>
    %add3A_22 = arith.addf %get3A_16, %get3A_21 : vector<2000x128xf32>
    %concatenate3A = tpu.concatenate %add3A, %add3A_22 in 1 : vector<2000x128xf32>, vector<2000x128xf32> -> vector<2000x256xf32>
    %mul3A = vector.broadcast %get3A_1 : vector<2000x1xf32> to vector<2000x256xf32>
    %mul3A_23 = arith.mulf %concatenate3A, %mul3A : vector<2000x256xf32>
    %get3A_24 = arith.constant 0 : index
    %get3A_25 = arith.constant 0 : index
    %get3A_26 = vector.load %arg4[%get3A_24, %get3A_25] : memref<1x256xf32, #tpu.memory_space<vmem>>, vector<1x256xf32>
    %add3A_27 = vector.broadcast %get3A_26 : vector<1x256xf32> to vector<2000x256xf32>
    %add3A_28 = arith.addf %mul3A_23, %add3A_27 : vector<2000x256xf32>
    %mul3A_29 = arith.mulf %add3A_28, %add3A_28 : vector<2000x256xf32>
    %reduce_sum3A = arith.constant dense<0.000000e+00> : vector<2000xf32>
    %reduce_sum3A_30 = vector.multi_reduction <add>, %mul3A_29, %reduce_sum3A [1] : vector<2000x256xf32> to vector<2000xf32>
    %broadcast_in_dim3A = vector.shape_cast %reduce_sum3A_30 : vector<2000xf32> to vector<2000x1xf32>
    %sqrt3A = math.sqrt %broadcast_in_dim3A : vector<2000x1xf32>
    %max3A = arith.constant 9.99999996E-13 : f32
    %max3A_31 = vector.broadcast %max3A : f32 to vector<2000x1xf32>
    %max3A_32 = arith.maximumf %sqrt3A, %max3A_31 : vector<2000x1xf32>
    %div3A = vector.broadcast %max3A_32 : vector<2000x1xf32> to vector<2000x256xf32>
    %div3A_33 = arith.divf %add3A_28, %div3A : vector<2000x256xf32>
    %get3A_34 = arith.constant 0 : index
    %get3A_35 = arith.constant 0 : index
    %get3A_36 = vector.load %arg5[%get3A_34, %get3A_35] : memref<256x128xf32, #tpu.memory_space<vmem>>, vector<256x128xf32>
    %dot_general3A = arith.constant dense<0.000000e+00> : vector<2000x128xf32>
    %dot_general3A_37 = tpu.matmul %div3A_33, %get3A_36, %dot_general3A {dimension_numbers = #tpu.dot_dimension_numbers<[1], [0], [0], [1], [0, 0, 1, 1], [], []>, transpose_lhs_hint = false} : vector<2000x256xf32>, vector<256x128xf32>, vector<2000x128xf32> -> vector<2000x128xf32>
    %mul3A_38 = vector.broadcast %get3A_1 : vector<2000x1xf32> to vector<2000x128xf32>
    %mul3A_39 = arith.mulf %dot_general3A_37, %mul3A_38 : vector<2000x128xf32>
    %swap3A = arith.constant 0 : index
    %swap3A_40 = arith.constant 0 : index
    %swap3A_41 = vector.load %arg6[%swap3A, %swap3A_40] : memref<2000x128xf32, #tpu.memory_space<vmem>>, vector<2000x128xf32>
    tpu.vector_store %arg6[%swap3A, %swap3A_40], %mul3A_39 {strides = array<i32>} : memref<2000x128xf32, #tpu.memory_space<vmem>>, vector<2000x128xf32>,
    return
  }
  func.func @transform_0(%arg0: i32) -> (i32, i32, i32) {
    %c0_i32 = arith.constant 0 : i32
    %c0_i32_0 = arith.constant 0 : i32
    %c0_i32_1 = arith.constant 0 : i32
    return %c0_i32, %arg0, %c0_i32_0 : i32, i32, i32
  }
  func.func @transform_1(%arg0: i32) -> (i32, i32, i32) {
    %c0_i32 = arith.constant 0 : i32
    %c0_i32_0 = arith.constant 0 : i32
    %c0_i32_1 = arith.constant 0 : i32
    return %c0_i32, %arg0, %c0_i32_0 : i32, i32, i32
  }
  func.func @transform_2(%arg0: i32) -> (i32, i32) {
    %c0_i32 = arith.constant 0 : i32
    %c0_i32_0 = arith.constant 0 : i32
    return %arg0, %c0_i32 : i32, i32
  }
  func.func @transform_3(%arg0: i32) -> (i32, i32) {
    %c0_i32 = arith.constant 0 : i32
    %c0_i32_0 = arith.constant 0 : i32
    %c0_i32_1 = arith.constant 0 : i32
    return %c0_i32, %c0_i32_0 : i32, i32
  }
  func.func @transform_4(%arg0: i32) -> (i32, i32) {
    %c0_i32 = arith.constant 0 : i32
    %c0_i32_0 = arith.constant 0 : i32
    %c0_i32_1 = arith.constant 0 : i32
    return %c0_i32, %c0_i32_0 : i32, i32
  }
  func.func @transform_5(%arg0: i32) -> (i32, i32) {
    %c0_i32 = arith.constant 0 : i32
    %c0_i32_0 = arith.constant 0 : i32
    return %arg0, %c0_i32 : i32, i32
  }
}

module attributes {stable_mosaic.version = 14 : i64} {
  func.func @_tc3_body(%arg0: i32, %arg1: memref<2x2000x128xf32, #tpu.memory_space<vmem>>, %arg2: memref<2000x128xf32, #tpu.memory_space<vmem>>, %arg3: memref<2000x1xf32, #tpu.memory_space<vmem>>, %arg4: memref<1x128xf32, #tpu.memory_space<vmem>>, %arg5: memref<2000x128xf32, #tpu.memory_space<vmem>>) attributes {dimension_semantics = [#tpu.dimension_semantics<arbitrary>], iteration_bounds = array<i64: 5>, scalar_prefetch = 0 : i64, scratch_operands = 0 : i64, tpu.core_type = #tpu.core_type<tc>, window_params = [{transform_indices = @transform_0, window_bounds = array<i64: 2, 2000, 128>}, {transform_indices = @transform_1, window_bounds = array<i64: 2000, 128>}, {transform_indices = @transform_2, window_bounds = array<i64: 2000, 1>}, {pipeline_mode = #tpu.pipeline_mode<synchronous>, transform_indices = @transform_3, window_bounds = array<i64: 1, 128>}, {transform_indices = @transform_4, window_bounds = array<i64: 2000, 128>}]} {
    %get3A = arith.constant 0 : index
    %get3A_0 = arith.constant 0 : index
    %get3A_1 = vector.load %arg3[%get3A, %get3A_0] : memref<2000x1xf32, #tpu.memory_space<vmem>>, vector<2000x1xf32>
    %get3A_2 = arith.constant 0 : index
    %get3A_3 = arith.constant 0 : index
    %get3A_4 = arith.constant 0 : index
    %get3A_5 = vector.load %arg1[%get3A_2, %get3A_3, %get3A_4] : memref<2x2000x128xf32, #tpu.memory_space<vmem>>, vector<1x2000x128xf32>
    %get3A_6 = vector.shape_cast %get3A_5 : vector<1x2000x128xf32> to vector<2000x128xf32>
    %get3A_7 = arith.constant 1 : index
    %get3A_8 = arith.constant 0 : index
    %get3A_9 = arith.constant 0 : index
    %get3A_10 = vector.load %arg1[%get3A_7, %get3A_8, %get3A_9] : memref<2x2000x128xf32, #tpu.memory_space<vmem>>, vector<1x2000x128xf32>
    %get3A_11 = vector.shape_cast %get3A_10 : vector<1x2000x128xf32> to vector<2000x128xf32>
    %add3A = arith.addf %get3A_6, %get3A_11 : vector<2000x128xf32>
    %get3A_12 = arith.constant 0 : index
    %get3A_13 = arith.constant 0 : index
    %get3A_14 = vector.load %arg2[%get3A_12, %get3A_13] : memref<2000x128xf32, #tpu.memory_space<vmem>>, vector<2000x128xf32>
    %add3A_15 = arith.addf %add3A, %get3A_14 : vector<2000x128xf32>
    %mul3A = vector.broadcast %get3A_1 : vector<2000x1xf32> to vector<2000x128xf32>
    %mul3A_16 = arith.mulf %mul3A, %add3A_15 : vector<2000x128xf32>
    %get3A_17 = arith.constant 0 : index
    %get3A_18 = arith.constant 0 : index
    %get3A_19 = vector.load %arg4[%get3A_17, %get3A_18] : memref<1x128xf32, #tpu.memory_space<vmem>>, vector<1x128xf32>
    %add3A_20 = vector.broadcast %get3A_19 : vector<1x128xf32> to vector<2000x128xf32>
    %add3A_21 = arith.addf %mul3A_16, %add3A_20 : vector<2000x128xf32>
    %swap3A = arith.constant 0 : index
    %swap3A_22 = arith.constant 0 : index
    %swap3A_23 = vector.load %arg5[%swap3A, %swap3A_22] : memref<2000x128xf32, #tpu.memory_space<vmem>>, vector<2000x128xf32>
    tpu.vector_store %arg5[%swap3A, %swap3A_22], %add3A_21 {strides = array<i32>} : memref<2000x128xf32, #tpu.memory_space<vmem>>, vector<2000x128xf32>,
    return
  }
  func.func @transform_0(%arg0: i32) -> (i32, i32, i32) {
    %c0_i32 = arith.constant 0 : i32
    %c0_i32_0 = arith.constant 0 : i32
    %c0_i32_1 = arith.constant 0 : i32
    return %c0_i32, %arg0, %c0_i32_0 : i32, i32, i32
  }
  func.func @transform_1(%arg0: i32) -> (i32, i32) {
    %c0_i32 = arith.constant 0 : i32
    %c0_i32_0 = arith.constant 0 : i32
    return %arg0, %c0_i32 : i32, i32
  }
  func.func @transform_2(%arg0: i32) -> (i32, i32) {
    %c0_i32 = arith.constant 0 : i32
    %c0_i32_0 = arith.constant 0 : i32
    return %arg0, %c0_i32 : i32, i32
  }
  func.func @transform_3(%arg0: i32) -> (i32, i32) {
    %c0_i32 = arith.constant 0 : i32
    %c0_i32_0 = arith.constant 0 : i32
    %c0_i32_1 = arith.constant 0 : i32
    return %c0_i32, %c0_i32_0 : i32, i32
  }
  func.func @transform_4(%arg0: i32) -> (i32, i32) {
    %c0_i32 = arith.constant 0 : i32
    %c0_i32_0 = arith.constant 0 : i32
    return %arg0, %c0_i32 : i32, i32
  }
}

</mosaic_0001>

<sc_bundles>
// kernel: kernel.11.cloned.1.call-start
scs
__scs_entry_jumppad:
0x0: {  	(pc) =	sbr.rel $0x88, $3  }
0x1: {  	(tag) =	ssettag $0x0;
	lr =	simm.s32 $0x1  }
0x2: {  	[smem:$0x3F9B] =	sst lr;
	_ =	strace $0xD0000000  }
0x3: {  	_ = 	snop  }
0x4: {  	_ = 	snop  }
0x5: {  	_ = 	snop  }
0x6: {  	_ = 	snop  }
0x7: {  	_ = 	snop  }
__scs_overlays_trampoline_lowered:
0x8: {  	[smem:$0x3FAA] =	sst s0  }
0x9: {  	[smem:$0x3FAB] =	sst s1  }
0xa: {  	[smem:$0x3FAC] =	sst s2  }
0xb: {  	[smem:$0x3FAD] =	sst s3  }
0xc: {  	[smem:$0x3FAE] =	sst s4  }
0xd: {  	[smem:$0x3FAF] =	sst s5  }
0xe: {  	[smem:$0x3FB0] =	sst s6  }
0xf: {  	[smem:$0x3FB1] =	sst s7  }
0x10: {  	[smem:$0x3FB2] =	sst s8  }
0x11: {  	[smem:$0x3FB3] =	sst s9;
	s0 =	simm.s32 @!p0 $0x0  }
0x12: {  	s1 =	sld [smem:$0x3F99];
	s0 =	simm.s32 @p0 $0x1  }
0x13: {  	[smem:$0x3FB4] =	sst s0;
	s0 =	simm.s32 @!p1 $0x0  }
0x14: {  	s2 =	sld [smem:$0x3F98];
	s0 =	simm.s32 @p1 $0x1  }
0x15: {  	[smem:$0x3FB5] =	sst s0;
	s0 =	simm.s32 @!p2 $0x0  }
0x16: {  	s3 =	sld [smem:$0x3FDB];
	s0 =	simm.s32 @p2 $0x1  }
0x17: {  	s4 =	simm.s32 $0x1BF5;
	[smem:$0x3FB7] =	sst s0  }
0x18: {  	s0 =	sld [smem:$0x3F9A];
	_ =	swait.ge [sflag:s4], $0x0  }
0x19: {  	s7 =	sld [smem:$0x3F9B]  }
0x1a: {  	s8 =	sadd.s32 $0xFFFFE003, lr  }
0x1b: {  	s9 =	sadd.s32 $0xFFFFFEF7, lr;
	s5 =	simm.s32 $0xFFFFFFFF;
	p2 =	slt.u32 s8, $0xFFFFF086  }
0x1c: {  	p1 =	slt.u32 s9, $0xF7A;
	s5 =	simm.s32 @!p2 $0x0  }
0x1d: {  	s5 =	simm.s32 @p1 $0x1;
	p0 =	seq.s32 s7, s2  }
0x1e: {  	s7 =	smul.u32 @!p0 $0xF7A, s2;
	p2 =	seq.s32 @!p0 s5, $0x0  }
0x1f: {  	s9 =	smul.u32 $0xF7A, s1;
	s8 =	simm.s32 @!p0 $0x1BF5;
	p2 =	por !p2, p0  }
0x20: {  	[sflag:s8] =	ssyncset.s32 @!p0 $0xFFFFF086;
	s6 =	sadd.s32 @!p0 s3, s7;
	s7 =	simm.s32 @!p0 $0x108  }
0x21: {  	s3 =	sadd.s32 s3, s9;
	s6 =	sadd.s32 @!p0 $0x88, s6;
	s7 =	simm.s32 @p2 $0x1082  }
0x22: {  	[simem:s7], [sflag:s8] =	dma.local @!p0 [hbm:s6], $0xF7A  }
0x23: {  	s9 =	sor.u32 $0xD0000000, s2;
	s6 =	simm.s32 $0x108;
	_ =	swait.ge @!p0 [sflag:s8], $0x0  }
0x24: {  	s3 =	sadd.s32 $0x88, s3;
	s6 =	simm.s32 @!p1 $0x1082;
	[sflag:s4] =	ssyncset.s32 $0xFFFFF086  }
0x25: {  	[simem:s6], [sflag:s4] =	dma.local [hbm:s3], $0xF7A  }
0x26: {  	[smem:$0x3F9B] =	sst s1;
	(tag) =	ssettag s2;
	_ =	strace s9  }
0x27: {  	s1 =	sld [smem:$0x3FAB]  }
0x28: {  	s2 =	sld [smem:$0x3FAC]  }
0x29: {  	s4 =	sld [smem:$0x3FAE]  }
0x2a: {  	p0 =	seq.s32 s5, $0x0;
	s5 =	sld [smem:$0x3FAF]  }
0x2b: {  	s6 =	sld [smem:$0x3FB0]  }
0x2c: {  	s7 =	sld [smem:$0x3FB1]  }
0x2d: {  	s3 =	simm.s32 $0x108;
	s8 =	sld [smem:$0x3FB2]  }
0x2e: {  	s3 =	simm.s32 @!p0 $0x1082;
	s9 =	sld [smem:$0x3FB3]  }
0x2f: {  	lr =	sadd.s32 s0, s3;
	s0 =	sld [smem:$0x3FAA]  }
0x30: {  	s3 =	sld [smem:$0x3FAD]  }
0x31: {  	[smem:$0x3FB6] =	sst s10  }
0x32: {  	s10 =	sld [smem:$0x3FB4];
	_ =	sdelay $0x3  }
0x33: {  	p0 =	seq.s32 s10, $0x1;
	s10 =	sld [smem:$0x3FB6];
	_ =	sdelay $0x3  }
0x34: {  	[smem:$0x3FB6] =	sst s10  }
0x35: {  	s10 =	sld [smem:$0x3FB5];
	_ =	sdelay $0x3  }
0x36: {  	p1 =	seq.s32 s10, $0x1;
	s10 =	sld [smem:$0x3FB6];
	_ =	sdelay $0x3  }
0x37: {  	[smem:$0x3FB6] =	sst s10  }
0x38: {  	s10 =	sld [smem:$0x3FB7]  }
0x39: {  	_ = 	snop;
	(pc) =	sbr.ind lr, $3  }
0x3a: {  	_ = 	snop  }
0x3b: {  	_ = 	snop  }
0x3c: {  	p2 =	seq.s32 s10, $0x1;
	s10 =	sld [smem:$0x3FB6]  }
0x3d: {  	_ =	shalt  }
0x3e: {  	_ =	shalt  }
0x3f: {  	_ =	shalt  }
0x40: {  	_ =	shalt  }
0x41: {  	_ =	shalt  }
0x42: {  	_ =	shalt  }
0x43: {  	_ =	shalt  }
0x44: {  	_ =	shalt  }
0x45: {  	_ =	shalt  }
0x46: {  	_ =	shalt  }
0x47: {  	_ =	shalt  }
0x48: {  	_ =	shalt  }
0x49: {  	_ =	shalt  }
0x4a: {  	_ =	shalt  }
0x4b: {  	_ =	shalt  }
0x4c: {  	_ =	shalt  }
0x4d: {  	_ =	shalt  }
0x4e: {  	_ =	shalt  }
0x4f: {  	_ =	shalt  }
0x50: {  	_ =	shalt  }
0x51: {  	_ =	shalt  }
0x52: {  	_ =	shalt  }
0x53: {  	_ =	shalt  }
0x54: {  	_ =	shalt  }
0x55: {  	_ =	shalt  }
0x56: {  	_ =	shalt  }
0x57: {  	_ =	shalt  }
0x58: {  	_ =	shalt  }
0x59: {  	_ =	shalt  }
0x5a: {  	_ =	shalt  }
0x5b: {  	_ =	shalt  }
0x5c: {  	_ =	shalt  }
0x5d: {  	_ =	shalt  }
0x5e: {  	_ =	shalt  }
0x5f: {  	_ =	shalt  }
0x60: {  	_ =	shalt  }
0x61: {  	_ =	shalt  }
0x62: {  	_ =	shalt  }
0x63: {  	_ =	shalt  }
0x64: {  	_ =	shalt  }
0x65: {  	_ =	shalt  }
0x66: {  	_ =	shalt  }
0x67: {  	_ =	shalt  }
0x68: {  	_ =	shalt  }
0x69: {  	_ =	shalt  }
0x6a: {  	_ =	shalt  }
0x6b: {  	_ =	shalt  }
0x6c: {  	_ =	shalt  }
0x6d: {  	_ =	shalt  }
0x6e: {  	_ =	shalt  }
0x6f: {  	_ =	shalt  }
0x70: {  	_ =	shalt  }
0x71: {  	_ =	shalt  }
0x72: {  	_ =	shalt  }
0x73: {  	_ =	shalt  }
0x74: {  	_ =	shalt  }
0x75: {  	_ =	shalt  }
0x76: {  	_ =	shalt  }
0x77: {  	_ =	shalt  }
0x78: {  	_ =	shalt  }
0x79: {  	_ =	shalt  }
0x7a: {  	_ =	shalt  }
0x7b: {  	_ =	shalt  }
0x7c: {  	_ =	shalt  }
0x7d: {  	_ =	shalt  }
0x7e: {  	_ =	shalt  }
0x7f: {  	_ =	shalt  }
0x80: {  	_ =	shalt  }
0x81: {  	_ =	shalt  }
0x82: {  	_ =	shalt  }
0x83: {  	_ =	shalt  }
0x84: {  	_ =	shalt  }
0x85: {  	_ =	shalt  }
0x86: {  	_ =	shalt  }
0x87: {  	_ =	shalt  }
.Lfunc_end0:
.L_simem_size_0:
called_computation.1_lowered:
.L_overlay_start_0:
0x88: {  	s2 =	sld [smem:$0x3FD9]  }
0x89: {  	s3 =	sld [smem:$0x3FFE];
	_ =	sdelay $0x1  }
0x8a: {  	s1 =	srdreg.scid  }
0x8b: {  	s0 =	sand.u32 $0x1, s1  }
0x8c: {  	s17 =	sshll.u32 s0, $0xA;
	s2 =	sadd.s32 s3, s2  }
0x8d: {  	s2 =	sadd.s32 s2, s17  }
0x8e: {  	[smem:$0x3FC2] =	sst s2  }
0x8f: {  	_ = 	snop  }
0x90: {  	s2 =	sld [smem:$0x3FD0];
	(tm) =	ssettm $0x1  }
0x91: {  	s18 =	sld [smem:$0x3FFB];
	_ =	sdelay $0x3  }
0x92: {  	_ =	strace s18  }
0x93: {  	s3 =	sld [smem:$0x3FFC];
	_ =	sdelay $0x3  }
0x94: {  	_ =	strace s3  }
0x95: {  	s3 =	sld [smem:$0x3FFD];
	_ =	sdelay $0x3  }
0x96: {  	_ =	strace s3  }
0x97: {  	_ =	strace $0x8FFFFFFF  }
0x98: {  	s19 =	sld [smem:$0x3FDB];
	_ =	sdelay $0x1  }
0x99: {  	s4 =	simm.s32 $_scs_section_size  }
0x9a: {  	s5 =	simm.s32 $_size__tile_overlayer_lowered;
	s6 =	simm.s32 $_tile_overlayer_lowered  }
0x9b: {  	s22 =	simm.s32 $0x1BFF;
	s21 =	sshll.u32 s6, $0x1;
	s3 =	sadd.s32 s4, s19  }
0x9c: {  	s7 =	simm.s32 $0x0;
	s20 =	sshll.u32 s5, $0x1;
	s5 =	sadd.s32 s21, s3  }
0x9d: {  	[timem:s7], [sflag:s22] =	dma.local [hbm:s5], s20  }
0x9e: {  	_ =	swait.ge [sflag:s22], s20  }
0x9f: {  	s4 =	ssub.s32 $0x0, s20;
	[sflag:s22] =	ssyncset.done $0x0  }
0xa0: {  	[sflag:s22] =	ssyncadd.s32 s4;
	_ =	sdelay $0x1  }
0xa1: {  	s23 =	simm.s32 $0x1B8B  }
0xa2: {  	_ =	swait.ge [sflag:s23], $0x1  }
0xa3: {  	[sflag:s23] =	ssyncset.done $0x0  }
0xa4: {  	s25 =	simm.s32 $0x1B8E;
	s24 =	sld [smem:$0x3FFE];
	[sflag:s23] =	ssyncadd.s32 $0xFFFFFFFF  }
0xa5: {  	s26 =	simm.s32 $execute0_lowered;
	[smem:$0x3FD2] =	sst s25  }
0xa6: {  	s5 =	sshll.u32 s26, $0x1;
	_ =	strace $0x80000049;
	[dreg:$0x1] =	wrdreg $0xFFFFFFFF  }
0xa7: {  	s28 =	simm.s32 $_size_execute0_lowered;
	s3 =	sadd.s32 s3, s5;
	[dreg:$0x0] =	wrdreg $0x0  }
0xa8: {  	s5 =	sshll.u32 s28, $0x1;
	[dreg:$0x2] =	wrdreg s3  }
0xa9: {  	[dreg:$0x3] =	wrdreg s5  }
0xaa: {  	[dreg:$0x4] =	wrdreg $0xC0  }
0xab: {  	_ =	task [dreg:s7], $0x5FFFF  }
0xac: {  	[dreg:$0x1] =	wrdreg $0xFFFFFFFF  }
0xad: {  	[dreg:$0x0] =	wrdreg $0x60  }
0xae: {  	[dreg:$0x2] =	wrdreg s24  }
0xaf: {  	[dreg:$0x3] =	wrdreg s2  }
0xb0: {  	[dreg:$0x4] =	wrdreg $0xA8000  }
0xb1: {  	[dreg:$0x5] =	wrdreg $0x9  }
0xb2: {  	_ =	task.clear_ibuf [dreg:s7], $0x6FFFF;
	_ =	strace $0x90000049  }
0xb3: {  	s29 =	simm.s32 $0x9;
	_ =	strace $0x8000004B  }
0xb4: {  	_ =	swait.ge [sflag:s29], $0x1  }
0xb5: {  	[sflag:s29] =	ssyncadd.s32 $0xFFFFFFFF  }
0xb6: {  	_ =	strace $0x9000004B  }
0xb7: {  	_ =	sfence  }
0xb8: {  	s30 =	sld [smem:$0x0];
	_ =	sdelay $0x2  }
0xb9: {  	s31 =	sshll.u32 s1, $0xD;
	s1 =	sshrl.u32 s1, $0x2  }
0xba: {  	s3 =	sand.u32 $0x4000, s31;
	s1 =	sadd.s32 s1, s30  }
0xbb: {  	s0 =	sor.u32 s3, s0;
	s1 =	sshll.u32 s1, $0x11  }
0xbc: {  	s0 =	sor.u32 s1, s0  }
0xbd: {  	s0 =	sadd.s32 $0x8F2B, s0  }
0xbe: {  	[sflag:s0] =	ssyncadd.remote.s32 $0x1  }
0xbf: {  	_ =	sfence.sel $0xFFFF  }
0xc0: {  	[dreg:$0x0] =	wrdreg $0xFFFFFFFF;
	(pc) =	sbr.abs _section_cstart, $3  }
0xc1: {  	[dreg:$0x1] =	wrdreg $0xFFFFFFFF  }
0xc2: {  	_ =	task.clear_ibuf [dreg:s7], $0x2FFFF;
	_ =	strace $0x9FFFFFFF  }
0xc3: {  	(tm) =	ssettm $0x7FFFFFFF  }
tec
execute0_lowered:
.L_overlay_start_1:
0x0: {  	(tag) =	ssettag $0x1  }
0x1: {  	s8 =	rddreg [dreg:$0x0]  }
0x2: {  	s2 =	rddreg [dreg:$0x1]  }
0x3: {  	s3 =	rddreg [dreg:$0x2];
	s0 =	stileid.u32  }
0x4: {  	s5 =	srdreg.scid;
	s1 =	rddreg [dreg:$0x3]  }
0x5: {  	s4 =	simm.s32 $0x0;
	s16 =	simm.s32 $0x80;
	s17 =	simm.s32 $0x2800  }
0x6: {  	s18 =	simm.s32 $0x6800;
	s19 =	simm.s32 $0x1;
	s20 =	simm.s32 $0x2  }
0x7: {  	s21 =	simm.s32 $0x1380;
	s22 =	simm.s32 $0x2700;
	s23 =	simm.s32 $0x2780  }
0x8: {  	s6 =	smul.u32 $0x280, s0;
	s9 =	sand.u32 $0x1, s5;
	[smem:$0x7FF] =	sst s4  }
0x9: {  	s5 =	sadd.s32 $0x19A00, s8;
	s7 =	sadd.s32 $0x17200, s8;
	s10 =	smul.u32 $0x138800, s9  }
0xa: {  	s31 =	sshll.u32 s0, $0x6;
	_ =	strace $0x8000004A;
	s6 =	smin.u32 s6, $0x2490  }
0xb: {  	s12 =	ssub.s32 $0x2, s9;
	s13 =	smul.u32 $0x50000, s9;
	s11 =	sshll.u32 s6, $0x7  }
0xc: {  	s9 =	sor.u32 $0x1C03, s31;
	s30 =	sshrl.u32 s12, $0x1;
	s10 =	sadd.s32 s10, s11  }
0xd: {  	s6 =	sadd.s32 $0x2A00, s8;
	s12 =	ssub.s32 s12, s30;
	s10 =	sshrl.u32 s10, $0x3  }
0xe: {  	s15 =	sadd.s32 s11, s3;
	s14 =	sadd.s32 s10, s8;
	s8 =	smul.u32 $0x5000, s0  }
0xf: {  	s12 =	smax.u32 s12, $0x1;
	s11 =	sadd.s32 $0x67C00, s14;
	s14 =	simm.s32 $0x3  }
0x10: {  	s10 =	sadd.s32 s13, s8;
	s13 =	sshrl.u32 s15, $0x3;
	s15 =	simm.s32 $0x1400  }
.LBB2_1:
0x11: {  	[spmem:s13], [sflag:s9] =	dma.local [hbm:s7], $0x2800  }
0x12: {  	_ =	swait.ge [sflag:s14], $0x2800  }
0x13: {  	[sflag:s14] =	ssyncset.done $0x0  }
0x14: {  	[sflag:s14] =	ssyncadd.s32 $0xFFFFD800  }
0x15: {  	s24 =	simm.s32 $0x0;
	[bflag:$0x0] =	sbarrier.arrive $0xFFFF  }
.LBB2_2:
0x16: {  	s25 =	smul.u32 $0x1400, s24;
	_ =	sdelay $0x1  }
0x17: {  	s26 =	sadd.s32 s10, s25  }
0x18: {  	s26 =	sshrl.u32 s26, $0x3  }
0x19: {  	s28 =	simm.s32 $0x0;
	s26 =	sadd.s32 s2, s26  }
0x1a: {  	[tilespmem:s28], [sflag:$0x3] =	stream.linear.gather [hbm4b:s26+s28], $0x1400, $0x38;
	[tilespmem:$0x1E100] =	vst v63  }
0x1b: {  	s25 =	sadd.s32 s8, s25;
	_ =	swait.ge [sflag:s14], $0x1400  }
0x1c: {  	s25 =	sshrl.u32 s25, $0x3;
	[sflag:s14] =	ssyncset.done $0x0  }
0x1d: {  	s25 =	sadd.s32 s6, s25;
	[sflag:s14] =	ssyncadd.s32 $0xFFFFEC00  }
0x1e: {  	[tilespmem:s15], [sflag:$0x3] =	stream.linear.gather [hbm4b:s25+s28], $0x1400, $0x38;
	[tilespmem:$0x1E100] =	vst v63  }
0x1f: {  	_ =	swait.ge [sflag:s14], $0x1400  }
0x20: {  	[sflag:s14] =	ssyncset.done $0x0  }
0x21: {  	[sflag:s14] =	ssyncadd.s32 $0xFFFFEC00  }
0x22: {  	[tilespmem:s17], [sflag:$0x1] =	stream.indirect.gather [hbm4b:s5+s16], $0x80, s28, s16, $0xb8;
	[tilespmem:$0x1E100] =	vst v63  }
0x23: {  	s28 =	simm.s32 $0x80  }
0x24: {  	[tilespmem:s18], [sflag:$0x2] =	stream.indirect.gather [hbm4b:s5+s16], $0x80, s28, s16, $0xb8;
	[tilespmem:$0x1E100] =	vst v63  }
0x25: {  	_ =	swait.ge [sflag:s19], $0x4000  }
0x26: {  	[sflag:s19] =	ssyncset.done $0x0  }
0x27: {  	s29 =	simm.s32 $0x1400;
	[sflag:s19] =	ssyncadd.s32 $0xFFFFC000  }
0x28: {  	[spmem:s3] =	stream.indirect.scatter.add.f32 [tilespmem:s17], [sflag:$0x3], $0x80, s29, s16, $0xb8;
	[tilespmem:$0x1E100] =	vst v63  }
0x29: {  	_ =	swait.ge [sflag:s14], $0x4000  }
0x2a: {  	[sflag:s14] =	ssyncset.done $0x0  }
0x2b: {  	s30 =	simm.s32 $0x100;
	[sflag:s14] =	ssyncadd.s32 $0xFFFFC000  }
0x2c: {  	[tilespmem:s17], [sflag:$0x1] =	stream.indirect.gather [hbm4b:s5+s16], $0x80, s30, s16, $0xb8;
	[tilespmem:$0x1E100] =	vst v63  }
0x2d: {  	_ =	swait.ge [sflag:s20], $0x4000  }
0x2e: {  	[sflag:s20] =	ssyncset.done $0x0  }
0x2f: {  	s31 =	simm.s32 $0x1480;
	[sflag:s20] =	ssyncadd.s32 $0xFFFFC000  }
0x30: {  	[spmem:s3] =	stream.indirect.scatter.add.f32 [tilespmem:s18], [sflag:$0x3], $0x80, s31, s16, $0xb8;
	[tilespmem:$0x1E100] =	vst v63  }
0x31: {  	_ =	swait.ge [sflag:s14], $0x4000  }
0x32: {  	s26 =	simm.s32 $0x800;
	s25 =	simm.s32 $0x100;
	[sflag:s14] =	ssyncset.done $0x0  }
.LBB2_3:
0x33: {  	s28 =	sadd.s32 $0x80, s25  }
0x34: {  	[sflag:s14] =	ssyncadd.s32 $0xFFFFC000;
	s29 =	smov.u32 s26;
	s30 =	sadd.s32 $0x400, s26  }
0x35: {  	[tilespmem:s18], [sflag:$0x2] =	stream.indirect.gather [hbm4b:s5+s16], $0x80, s28, s16, $0xb8;
	[tilespmem:$0x1E100] =	vst v63  }
0x36: {  	p0 =	sne.s32 s26, $0x4800;
	_ =	swait.ge [sflag:s19], $0x4000  }
0x37: {  	[sflag:s19] =	ssyncset.done $0x0  }
0x38: {  	s26 =	sadd.s32 $0x1400, s25;
	[sflag:s19] =	ssyncadd.s32 $0xFFFFC000  }
0x39: {  	[spmem:s3] =	stream.indirect.scatter.add.f32 [tilespmem:s17], [sflag:$0x3], $0x80, s26, s16, $0xb8;
	[tilespmem:$0x1E100] =	vst v63  }
0x3a: {  	_ =	swait.ge [sflag:s14], $0x4000  }
0x3b: {  	[sflag:s14] =	ssyncset.done $0x0  }
0x3c: {  	s26 =	sadd.s32 $0x100, s25;
	[sflag:s14] =	ssyncadd.s32 $0xFFFFC000  }
0x3d: {  	[tilespmem:s17], [sflag:$0x1] =	stream.indirect.gather [hbm4b:s5+s16], $0x80, s26, s16, $0xb8;
	[tilespmem:$0x1E100] =	vst v63  }
0x3e: {  	_ =	swait.ge [sflag:s20], $0x4000  }
.Ltmp0:
0x3f: {  	[sflag:s20] =	ssyncset.done $0x0;
	(pc) =	sbr.rel @p0 .LBB2_3-.Ltmp0, $4  }
0x40: {  	s25 =	sadd.s32 $0x1480, s25;
	[sflag:s20] =	ssyncadd.s32 $0xFFFFC000  }
0x41: {  	[spmem:s3] =	stream.indirect.scatter.add.f32 [tilespmem:s18], [sflag:$0x3], $0x80, s25, s16, $0xb8;
	[tilespmem:$0x1E100] =	vst v63  }
0x42: {  	_ =	swait.ge [sflag:s14], $0x4000  }
0x43: {  	s26 =	smov.u32 s30;
	s25 =	sshra.s32 s29, $0x2;
	[sflag:s14] =	ssyncset.done $0x0  }
0x44: {  	s26 =	sadd.s32 $0x80, s25;
	[sflag:s14] =	ssyncadd.s32 $0xFFFFC000  }
0x45: {  	[tilespmem:s18], [sflag:$0x2] =	stream.indirect.gather [hbm4b:s5+s16], $0x80, s26, s16, $0xb8;
	[tilespmem:$0x1E100] =	vst v63  }
0x46: {  	_ =	swait.ge [sflag:s19], $0x4000  }
0x47: {  	[sflag:s19] =	ssyncset.done $0x0  }
0x48: {  	s29 =	sadd.s32 $0x1400, s25;
	[sflag:s19] =	ssyncadd.s32 $0xFFFFC000  }
0x49: {  	[spmem:s3] =	stream.indirect.scatter.add.f32 [tilespmem:s17], [sflag:$0x3], $0x80, s29, s16, $0xb8;
	[tilespmem:$0x1E100] =	vst v63  }
0x4a: {  	_ =	swait.ge [sflag:s14], $0x4000  }
0x4b: {  	[sflag:s14] =	ssyncset.done $0x0  }
0x4c: {  	s30 =	sadd.s32 $0x100, s25;
	[sflag:s14] =	ssyncadd.s32 $0xFFFFC000  }
0x4d: {  	[tilespmem:s17], [sflag:$0x1] =	stream.indirect.gather [hbm4b:s5+s16], $0x80, s30, s16, $0xb8;
	[tilespmem:$0x1E100] =	vst v63  }
0x4e: {  	_ =	swait.ge [sflag:s20], $0x4000  }
0x4f: {  	[sflag:s20] =	ssyncset.done $0x0  }
0x50: {  	s31 =	sadd.s32 $0x1480, s25;
	[sflag:s20] =	ssyncadd.s32 $0xFFFFC000  }
0x51: {  	[spmem:s3] =	stream.indirect.scatter.add.f32 [tilespmem:s18], [sflag:$0x3], $0x80, s31, s16, $0xb8;
	[tilespmem:$0x1E100] =	vst v63  }
0x52: {  	_ =	swait.ge [sflag:s14], $0x4000  }
0x53: {  	[sflag:s14] =	ssyncset.done $0x0  }
0x54: {  	[sflag:s14] =	ssyncadd.s32 $0xFFFFC000  }
0x55: {  	[tilespmem:s18], [sflag:$0x2] =	stream.indirect.gather [hbm4b:s5+s16], $0x80, s21, s16, $0xb8;
	[tilespmem:$0x1E100] =	vst v63  }
0x56: {  	_ =	swait.ge [sflag:s19], $0x4000  }
0x57: {  	[sflag:s19] =	ssyncset.done $0x0  }
0x58: {  	[sflag:s19] =	ssyncadd.s32 $0xFFFFC000  }
0x59: {  	[spmem:s3] =	stream.indirect.scatter.add.f32 [tilespmem:s17], [sflag:$0x3], $0x80, s22, s16, $0xb8;
	[tilespmem:$0x1E100] =	vst v63  }
0x5a: {  	_ =	swait.ge [sflag:s14], $0x4000  }
0x5b: {  	[sflag:s14] =	ssyncset.done $0x0  }
0x5c: {  	[sflag:s14] =	ssyncadd.s32 $0xFFFFC000  }
0x5d: {  	s24 =	sadd.s32 $0x1, s24;
	_ =	swait.ge [sflag:s20], $0x4000  }
0x5e: {  	p0 =	sne.s32 s24, $0x4;
	[sflag:s20] =	ssyncset.done $0x0  }
.Ltmp1:
0x5f: {  	[sflag:s20] =	ssyncadd.s32 $0xFFFFC000;
	(pc) =	sbr.rel @p0 .LBB2_2-.Ltmp1, $4  }
0x60: {  	[spmem:s3] =	stream.indirect.scatter.add.f32 [tilespmem:s18], [sflag:$0x3], $0x80, s23, s16, $0xb8;
	[tilespmem:$0x1E100] =	vst v63  }
0x61: {  	_ =	swait.ge [sflag:s14], $0x4000  }
0x62: {  	[sflag:s14] =	ssyncset.done $0x0  }
0x63: {  	[sflag:s14] =	ssyncadd.s32 $0xFFFFC000  }
0x64: {  	s4 =	sadd.s32 $0x1, s4  }
0x65: {  	p0 =	sne.s32 s4, s12  }
.Ltmp2:
0x66: {  	[bflag:$0x0] =	sbarrier.arrive $0xFFFF;
	(pc) =	sbr.rel @p0 .LBB2_1-.Ltmp2, $4  }
0x67: {  	[hbm:s11], [sflag:s9] =	dma.local [spmem:s13], $0x2800  }
0x68: {  	_ =	swait.ge [sflag:s14], $0x2800  }
0x69: {  	[sflag:s14] =	ssyncset.done $0x0  }
0x6a: {  	[sflag:s14] =	ssyncadd.s32 $0xFFFFD800  }
0x6b: {  	_ =	sfence.sel $0x180000  }
0x6c: {  	[bflag:$0x0] =	sbarrier.arrive $0xFFFF  }
0x6d: {  	p0 =	sne.s32 s0, $0x0;
	_ =	strace $0x9000004A  }
0x6e: {  	s0 =	sadd.s32 @!p0 $0x100000, s1;
	[bflag:$0x2] =	sbarrier.arrive $0xFFFF  }
0x6f: {  	[sflag:s0] =	ssyncadd.tile.s32 @!p0 $0x1;
	_ =	shalt  }
.Lfunc_end2:
_tile_overlayer_lowered:
.L_overlay_start_2:
0x70: {  	(tag) =	ssettag $0x2  }
0x71: {  	s0 =	rddreg [dreg:$0x0];
	s2 =	stileid.u32  }
0x72: {  	s1 =	rddreg [dreg:$0x1];
	p0 =	sne.s32 s2, $0x0  }
0x73: {  	s3 =	rddreg [dreg:$0x2];
	[bflag:$0x3] =	sbarrier.arrive $0xFFFF;
	s2 =	simm.s32 @!p0 $0x1C03  }
0x74: {  	[timem:s3], [sflag:s2] =	dma.local @!p0 [hbm:s0], s1  }
0x75: {  	s0 =	simm.s32 @!p0 $0x3  }
0x76: {  	_ =	swait.ge @!p0 [sflag:s0], s1  }
0x77: {  	s1 =	ssub.s32 @!p0 $0x0, s1;
	[sflag:s0] =	ssyncset.done @!p0 $0x0  }
0x78: {  	[sflag:s0] =	ssyncadd.s32 @!p0 s1  }
0x79: {  	[bflag:$0x3] =	sbarrier.arrive $0xFFFF  }
0x7a: {  	_ =	shalt  }

// kernel: kernel.14.cloned.1.call-start
scs
__scs_entry_jumppad:
0x0: {  	(pc) =	sbr.rel $0x88, $3  }
0x1: {  	(tag) =	ssettag $0x0;
	lr =	simm.s32 $0x1  }
0x2: {  	[smem:$0x3F9B] =	sst lr;
	_ =	strace $0xD0000000  }
0x3: {  	_ = 	snop  }
0x4: {  	_ = 	snop  }
0x5: {  	_ = 	snop  }
0x6: {  	_ = 	snop  }
0x7: {  	_ = 	snop  }
__scs_overlays_trampoline_lowered:
0x8: {  	[smem:$0x3FAA] =	sst s0  }
0x9: {  	[smem:$0x3FAB] =	sst s1  }
0xa: {  	[smem:$0x3FAC] =	sst s2  }
0xb: {  	[smem:$0x3FAD] =	sst s3  }
0xc: {  	[smem:$0x3FAE] =	sst s4  }
0xd: {  	[smem:$0x3FAF] =	sst s5  }
0xe: {  	[smem:$0x3FB0] =	sst s6  }
0xf: {  	[smem:$0x3FB1] =	sst s7  }
0x10: {  	[smem:$0x3FB2] =	sst s8  }
0x11: {  	[smem:$0x3FB3] =	sst s9;
	s0 =	simm.s32 @!p0 $0x0  }
0x12: {  	s1 =	sld [smem:$0x3F99];
	s0 =	simm.s32 @p0 $0x1  }
0x13: {  	[smem:$0x3FB4] =	sst s0;
	s0 =	simm.s32 @!p1 $0x0  }
0x14: {  	s2 =	sld [smem:$0x3F98];
	s0 =	simm.s32 @p1 $0x1  }
0x15: {  	[smem:$0x3FB5] =	sst s0;
	s0 =	simm.s32 @!p2 $0x0  }
0x16: {  	s3 =	sld [smem:$0x3FDB];
	s0 =	simm.s32 @p2 $0x1  }
0x17: {  	s4 =	simm.s32 $0x1BF5;
	[smem:$0x3FB7] =	sst s0  }
0x18: {  	s0 =	sld [smem:$0x3F9A];
	_ =	swait.ge [sflag:s4], $0x0  }
0x19: {  	s7 =	sld [smem:$0x3F9B]  }
0x1a: {  	s8 =	sadd.s32 $0xFFFFE003, lr  }
0x1b: {  	s9 =	sadd.s32 $0xFFFFFEF7, lr;
	s5 =	simm.s32 $0xFFFFFFFF;
	p2 =	slt.u32 s8, $0xFFFFF086  }
0x1c: {  	p1 =	slt.u32 s9, $0xF7A;
	s5 =	simm.s32 @!p2 $0x0  }
0x1d: {  	s5 =	simm.s32 @p1 $0x1;
	p0 =	seq.s32 s7, s2  }
0x1e: {  	s7 =	smul.u32 @!p0 $0xF7A, s2;
	p2 =	seq.s32 @!p0 s5, $0x0  }
0x1f: {  	s9 =	smul.u32 $0xF7A, s1;
	s8 =	simm.s32 @!p0 $0x1BF5;
	p2 =	por !p2, p0  }
0x20: {  	[sflag:s8] =	ssyncset.s32 @!p0 $0xFFFFF086;
	s6 =	sadd.s32 @!p0 s3, s7;
	s7 =	simm.s32 @!p0 $0x108  }
0x21: {  	s3 =	sadd.s32 s3, s9;
	s6 =	sadd.s32 @!p0 $0x88, s6;
	s7 =	simm.s32 @p2 $0x1082  }
0x22: {  	[simem:s7], [sflag:s8] =	dma.local @!p0 [hbm:s6], $0xF7A  }
0x23: {  	s9 =	sor.u32 $0xD0000000, s2;
	s6 =	simm.s32 $0x108;
	_ =	swait.ge @!p0 [sflag:s8], $0x0  }
0x24: {  	s3 =	sadd.s32 $0x88, s3;
	s6 =	simm.s32 @!p1 $0x1082;
	[sflag:s4] =	ssyncset.s32 $0xFFFFF086  }
0x25: {  	[simem:s6], [sflag:s4] =	dma.local [hbm:s3], $0xF7A  }
0x26: {  	[smem:$0x3F9B] =	sst s1;
	(tag) =	ssettag s2;
	_ =	strace s9  }
0x27: {  	s1 =	sld [smem:$0x3FAB]  }
0x28: {  	s2 =	sld [smem:$0x3FAC]  }
0x29: {  	s4 =	sld [smem:$0x3FAE]  }
0x2a: {  	p0 =	seq.s32 s5, $0x0;
	s5 =	sld [smem:$0x3FAF]  }
0x2b: {  	s6 =	sld [smem:$0x3FB0]  }
0x2c: {  	s7 =	sld [smem:$0x3FB1]  }
0x2d: {  	s3 =	simm.s32 $0x108;
	s8 =	sld [smem:$0x3FB2]  }
0x2e: {  	s3 =	simm.s32 @!p0 $0x1082;
	s9 =	sld [smem:$0x3FB3]  }
0x2f: {  	lr =	sadd.s32 s0, s3;
	s0 =	sld [smem:$0x3FAA]  }
0x30: {  	s3 =	sld [smem:$0x3FAD]  }
0x31: {  	[smem:$0x3FB6] =	sst s10  }
0x32: {  	s10 =	sld [smem:$0x3FB4];
	_ =	sdelay $0x3  }
0x33: {  	p0 =	seq.s32 s10, $0x1;
	s10 =	sld [smem:$0x3FB6];
	_ =	sdelay $0x3  }
0x34: {  	[smem:$0x3FB6] =	sst s10  }
0x35: {  	s10 =	sld [smem:$0x3FB5];
	_ =	sdelay $0x3  }
0x36: {  	p1 =	seq.s32 s10, $0x1;
	s10 =	sld [smem:$0x3FB6];
	_ =	sdelay $0x3  }
0x37: {  	[smem:$0x3FB6] =	sst s10  }
0x38: {  	s10 =	sld [smem:$0x3FB7]  }
0x39: {  	_ = 	snop;
	(pc) =	sbr.ind lr, $3  }
0x3a: {  	_ = 	snop  }
0x3b: {  	_ = 	snop  }
0x3c: {  	p2 =	seq.s32 s10, $0x1;
	s10 =	sld [smem:$0x3FB6]  }
0x3d: {  	_ =	shalt  }
0x3e: {  	_ =	shalt  }
0x3f: {  	_ =	shalt  }
0x40: {  	_ =	shalt  }
0x41: {  	_ =	shalt  }
0x42: {  	_ =	shalt  }
0x43: {  	_ =	shalt  }
0x44: {  	_ =	shalt  }
0x45: {  	_ =	shalt  }
0x46: {  	_ =	shalt  }
0x47: {  	_ =	shalt  }
0x48: {  	_ =	shalt  }
0x49: {  	_ =	shalt  }
0x4a: {  	_ =	shalt  }
0x4b: {  	_ =	shalt  }
0x4c: {  	_ =	shalt  }
0x4d: {  	_ =	shalt  }
0x4e: {  	_ =	shalt  }
0x4f: {  	_ =	shalt  }
0x50: {  	_ =	shalt  }
0x51: {  	_ =	shalt  }
0x52: {  	_ =	shalt  }
0x53: {  	_ =	shalt  }
0x54: {  	_ =	shalt  }
0x55: {  	_ =	shalt  }
0x56: {  	_ =	shalt  }
0x57: {  	_ =	shalt  }
0x58: {  	_ =	shalt  }
0x59: {  	_ =	shalt  }
0x5a: {  	_ =	shalt  }
0x5b: {  	_ =	shalt  }
0x5c: {  	_ =	shalt  }
0x5d: {  	_ =	shalt  }
0x5e: {  	_ =	shalt  }
0x5f: {  	_ =	shalt  }
0x60: {  	_ =	shalt  }
0x61: {  	_ =	shalt  }
0x62: {  	_ =	shalt  }
0x63: {  	_ =	shalt  }
0x64: {  	_ =	shalt  }
0x65: {  	_ =	shalt  }
0x66: {  	_ =	shalt  }
0x67: {  	_ =	shalt  }
0x68: {  	_ =	shalt  }
0x69: {  	_ =	shalt  }
0x6a: {  	_ =	shalt  }
0x6b: {  	_ =	shalt  }
0x6c: {  	_ =	shalt  }
0x6d: {  	_ =	shalt  }
0x6e: {  	_ =	shalt  }
0x6f: {  	_ =	shalt  }
0x70: {  	_ =	shalt  }
0x71: {  	_ =	shalt  }
0x72: {  	_ =	shalt  }
0x73: {  	_ =	shalt  }
0x74: {  	_ =	shalt  }
0x75: {  	_ =	shalt  }
0x76: {  	_ =	shalt  }
0x77: {  	_ =	shalt  }
0x78: {  	_ =	shalt  }
0x79: {  	_ =	shalt  }
0x7a: {  	_ =	shalt  }
0x7b: {  	_ =	shalt  }
0x7c: {  	_ =	shalt  }
0x7d: {  	_ =	shalt  }
0x7e: {  	_ =	shalt  }
0x7f: {  	_ =	shalt  }
0x80: {  	_ =	shalt  }
0x81: {  	_ =	shalt  }
0x82: {  	_ =	shalt  }
0x83: {  	_ =	shalt  }
0x84: {  	_ =	shalt  }
0x85: {  	_ =	shalt  }
0x86: {  	_ =	shalt  }
0x87: {  	_ =	shalt  }
.Lfunc_end0:
.L_simem_size_0:
called_computation.2_lowered:
.L_overlay_start_0:
0x88: {  	s2 =	sld [smem:$0x3FD9]  }
0x89: {  	s3 =	sld [smem:$0x3FFE];
	_ =	sdelay $0x1  }
0x8a: {  	s1 =	srdreg.scid  }
0x8b: {  	s0 =	sand.u32 $0x1, s1  }
0x8c: {  	s17 =	sshll.u32 s0, $0xA;
	s2 =	sadd.s32 s3, s2  }
0x8d: {  	s2 =	sadd.s32 s2, s17  }
0x8e: {  	[smem:$0x3FC2] =	sst s2  }
0x8f: {  	_ = 	snop  }
0x90: {  	s2 =	sld [smem:$0x3FD0];
	(tm) =	ssettm $0x1  }
0x91: {  	s18 =	sld [smem:$0x3FFB];
	_ =	sdelay $0x3  }
0x92: {  	_ =	strace s18  }
0x93: {  	s3 =	sld [smem:$0x3FFC];
	_ =	sdelay $0x3  }
0x94: {  	_ =	strace s3  }
0x95: {  	s3 =	sld [smem:$0x3FFD];
	_ =	sdelay $0x3  }
0x96: {  	_ =	strace s3  }
0x97: {  	_ =	strace $0x8FFFFFFF  }
0x98: {  	s19 =	sld [smem:$0x3FDB];
	_ =	sdelay $0x1  }
0x99: {  	s4 =	simm.s32 $_scs_section_size  }
0x9a: {  	s5 =	simm.s32 $_size__tile_overlayer_lowered;
	s6 =	simm.s32 $_tile_overlayer_lowered  }
0x9b: {  	s22 =	simm.s32 $0x1BFF;
	s21 =	sshll.u32 s6, $0x1;
	s3 =	sadd.s32 s4, s19  }
0x9c: {  	s7 =	simm.s32 $0x0;
	s20 =	sshll.u32 s5, $0x1;
	s5 =	sadd.s32 s21, s3  }
0x9d: {  	[timem:s7], [sflag:s22] =	dma.local [hbm:s5], s20  }
0x9e: {  	_ =	swait.ge [sflag:s22], s20  }
0x9f: {  	s4 =	ssub.s32 $0x0, s20;
	[sflag:s22] =	ssyncset.done $0x0  }
0xa0: {  	[sflag:s22] =	ssyncadd.s32 s4;
	_ =	sdelay $0x1  }
0xa1: {  	s23 =	simm.s32 $0x1B8B  }
0xa2: {  	_ =	swait.ge [sflag:s23], $0x1  }
0xa3: {  	[sflag:s23] =	ssyncset.done $0x0  }
0xa4: {  	s25 =	simm.s32 $0x1B8E;
	s24 =	sld [smem:$0x3FFE];
	[sflag:s23] =	ssyncadd.s32 $0xFFFFFFFF  }
0xa5: {  	s26 =	simm.s32 $execute0_lowered;
	[smem:$0x3FD2] =	sst s25  }
0xa6: {  	s5 =	sshll.u32 s26, $0x1;
	_ =	strace $0x8000004C;
	[dreg:$0x1] =	wrdreg $0xFFFFFFFF  }
0xa7: {  	s28 =	simm.s32 $_size_execute0_lowered;
	s3 =	sadd.s32 s3, s5;
	[dreg:$0x0] =	wrdreg $0x0  }
0xa8: {  	s5 =	sshll.u32 s28, $0x1;
	[dreg:$0x2] =	wrdreg s3  }
0xa9: {  	[dreg:$0x3] =	wrdreg s5  }
0xaa: {  	[dreg:$0x4] =	wrdreg $0xC0  }
0xab: {  	_ =	task [dreg:s7], $0x5FFFF  }
0xac: {  	[dreg:$0x1] =	wrdreg $0xFFFFFFFF  }
0xad: {  	[dreg:$0x0] =	wrdreg $0x60  }
0xae: {  	[dreg:$0x2] =	wrdreg s2  }
0xaf: {  	[dreg:$0x3] =	wrdreg s24  }
0xb0: {  	[dreg:$0x4] =	wrdreg $0xA8000  }
0xb1: {  	[dreg:$0x5] =	wrdreg $0x9  }
0xb2: {  	_ =	task.clear_ibuf [dreg:s7], $0x6FFFF;
	_ =	strace $0x9000004C  }
0xb3: {  	s29 =	simm.s32 $0x9;
	_ =	strace $0x8000004E  }
0xb4: {  	_ =	swait.ge [sflag:s29], $0x1  }
0xb5: {  	[sflag:s29] =	ssyncadd.s32 $0xFFFFFFFF  }
0xb6: {  	_ =	strace $0x9000004E  }
0xb7: {  	_ =	sfence  }
0xb8: {  	s30 =	sld [smem:$0x0];
	_ =	sdelay $0x2  }
0xb9: {  	s31 =	sshll.u32 s1, $0xD;
	s1 =	sshrl.u32 s1, $0x2  }
0xba: {  	s3 =	sand.u32 $0x4000, s31;
	s1 =	sadd.s32 s1, s30  }
0xbb: {  	s0 =	sor.u32 s3, s0;
	s1 =	sshll.u32 s1, $0x11  }
0xbc: {  	s0 =	sor.u32 s1, s0  }
0xbd: {  	s0 =	sadd.s32 $0x8F2B, s0  }
0xbe: {  	[sflag:s0] =	ssyncadd.remote.s32 $0x1  }
0xbf: {  	_ =	sfence.sel $0xFFFF  }
0xc0: {  	[dreg:$0x0] =	wrdreg $0xFFFFFFFF;
	(pc) =	sbr.abs _section_cstart, $3  }
0xc1: {  	[dreg:$0x1] =	wrdreg $0xFFFFFFFF  }
0xc2: {  	_ =	task.clear_ibuf [dreg:s7], $0x2FFFF;
	_ =	strace $0x9FFFFFFF  }
0xc3: {  	(tm) =	ssettm $0x7FFFFFFF  }
tec
execute0_lowered:
.L_overlay_start_1:
0x0: {  	(tag) =	ssettag $0x1  }
0x1: {  	s1 =	rddreg [dreg:$0x0]  }
0x2: {  	s6 =	rddreg [dreg:$0x1]  }
0x3: {  	s3 =	rddreg [dreg:$0x2]  }
0x4: {  	s0 =	rddreg [dreg:$0x3]  }
0x5: {  	s4 =	simm.s32 $0x0;
	s2 =	stileid.u32;
	s5 =	srdreg.scid  }
0x6: {  	s15 =	simm.s32 $0x1400;
	s16 =	simm.s32 $0x80;
	s17 =	simm.s32 $0x2800  }
0x7: {  	s18 =	simm.s32 $0x6800;
	s19 =	simm.s32 $0x1;
	s20 =	simm.s32 $0x2  }
0x8: {  	s21 =	simm.s32 $0x1380;
	s22 =	simm.s32 $0x2700;
	s23 =	simm.s32 $0x2780  }
0x9: {  	s24 =	simm.s32 $0x0;
	[smem:$0x7FF] =	sst s4;
	s7 =	smul.u32 $0x280, s2  }
0xa: {  	s8 =	sand.u32 $0x1, s5;
	s11 =	sadd.s32 $0xCA00, s6;
	s12 =	sadd.s32 $0x2A00, s6  }
0xb: {  	s5 =	sadd.s32 $0x17200, s6;
	s31 =	sshll.u32 s2, $0x6;
	_ =	strace $0x8000004D  }
0xc: {  	s29 =	smul.u32 $0x138800, s8;
	s10 =	sshll.u32 s8, $0x4;
	s8 =	ssub.s32 $0x2, s8  }
0xd: {  	s28 =	smin.u32 s7, $0x2490;
	s10 =	sor.u32 s2, s10;
	s30 =	sshrl.u32 s8, $0x1  }
0xe: {  	s9 =	sshll.u32 s28, $0x7;
	s10 =	smul.u32 $0x2800, s10;
	s8 =	ssub.s32 s8, s30  }
0xf: {  	s7 =	sadd.s32 s29, s9;
	s13 =	sadd.s32 s9, s3;
	s8 =	smax.u32 s8, $0x1  }
0x10: {  	s7 =	sshrl.u32 s7, $0x3;
	s10 =	sshrl.u32 s10, $0x3;
	s13 =	sshrl.u32 s13, $0x3  }
0x11: {  	s7 =	sadd.s32 s7, s6;
	s6 =	sor.u32 $0x1C03, s31;
	s9 =	sadd.s32 s11, s10  }
0x12: {  	s14 =	sadd.s32 $0x280, s10;
	s10 =	sadd.s32 s12, s10;
	s7 =	sadd.s32 $0x19A00, s7  }
0x13: {  	s11 =	sadd.s32 s11, s14;
	s12 =	sadd.s32 s12, s14;
	s14 =	simm.s32 $0x3  }
.LBB2_1:
0x14: {  	[spmem:s13], [sflag:s6] =	dma.local [hbm:s5], $0x2800  }
0x15: {  	_ =	swait.ge [sflag:s14], $0x2800  }
0x16: {  	[sflag:s14] =	ssyncset.done $0x0  }
0x17: {  	[sflag:s14] =	ssyncadd.s32 $0xFFFFD800  }
0x18: {  	[bflag:$0x0] =	sbarrier.arrive $0xFFFF  }
0x19: {  	[tilespmem:s4], [sflag:$0x3] =	stream.linear.gather [hbm4b:s9+s4], $0x1400, $0x38;
	[tilespmem:$0x1E100] =	vst v63  }
0x1a: {  	_ =	swait.ge [sflag:s14], $0x1400  }
0x1b: {  	[sflag:s14] =	ssyncset.done $0x0  }
0x1c: {  	[sflag:s14] =	ssyncadd.s32 $0xFFFFEC00  }
0x1d: {  	[tilespmem:s15], [sflag:$0x3] =	stream.linear.gather [hbm4b:s10+s4], $0x1400, $0x38;
	[tilespmem:$0x1E100] =	vst v63  }
0x1e: {  	_ =	swait.ge [sflag:s14], $0x1400  }
0x1f: {  	[sflag:s14] =	ssyncset.done $0x0  }
0x20: {  	[sflag:s14] =	ssyncadd.s32 $0xFFFFEC00  }
0x21: {  	[tilespmem:s17], [sflag:$0x1] =	stream.indirect.gather [hbm4b:s1+s16], $0x80, s4, s16, $0xb8;
	[tilespmem:$0x1E100] =	vst v63  }
0x22: {  	s25 =	simm.s32 $0x80  }
0x23: {  	[tilespmem:s18], [sflag:$0x2] =	stream.indirect.gather [hbm4b:s1+s16], $0x80, s25, s16, $0xb8;
	[tilespmem:$0x1E100] =	vst v63  }
0x24: {  	_ =	swait.ge [sflag:s19], $0x4000  }
0x25: {  	[sflag:s19] =	ssyncset.done $0x0  }
0x26: {  	s29 =	simm.s32 $0x1400;
	[sflag:s19] =	ssyncadd.s32 $0xFFFFC000  }
0x27: {  	[spmem:s3] =	stream.indirect.scatter.add.f32 [tilespmem:s17], [sflag:$0x3], $0x80, s29, s16, $0xb8;
	[tilespmem:$0x1E100] =	vst v63  }
0x28: {  	_ =	swait.ge [sflag:s14], $0x4000  }
0x29: {  	[sflag:s14] =	ssyncset.done $0x0  }
0x2a: {  	s30 =	simm.s32 $0x100;
	[sflag:s14] =	ssyncadd.s32 $0xFFFFC000  }
0x2b: {  	[tilespmem:s17], [sflag:$0x1] =	stream.indirect.gather [hbm4b:s1+s16], $0x80, s30, s16, $0xb8;
	[tilespmem:$0x1E100] =	vst v63  }
0x2c: {  	_ =	swait.ge [sflag:s20], $0x4000  }
0x2d: {  	[sflag:s20] =	ssyncset.done $0x0  }
0x2e: {  	s31 =	simm.s32 $0x1480;
	[sflag:s20] =	ssyncadd.s32 $0xFFFFC000  }
0x2f: {  	[spmem:s3] =	stream.indirect.scatter.add.f32 [tilespmem:s18], [sflag:$0x3], $0x80, s31, s16, $0xb8;
	[tilespmem:$0x1E100] =	vst v63  }
0x30: {  	_ =	swait.ge [sflag:s14], $0x4000  }
0x31: {  	s26 =	simm.s32 $0x800;
	s25 =	simm.s32 $0x100;
	[sflag:s14] =	ssyncset.done $0x0  }
.LBB2_2:
0x32: {  	s28 =	sadd.s32 $0x80, s25  }
0x33: {  	[sflag:s14] =	ssyncadd.s32 $0xFFFFC000;
	s29 =	smov.u32 s26;
	s30 =	sadd.s32 $0x400, s26  }
0x34: {  	[tilespmem:s18], [sflag:$0x2] =	stream.indirect.gather [hbm4b:s1+s16], $0x80, s28, s16, $0xb8;
	[tilespmem:$0x1E100] =	vst v63  }
0x35: {  	p0 =	sne.s32 s26, $0x4800;
	_ =	swait.ge [sflag:s19], $0x4000  }
0x36: {  	[sflag:s19] =	ssyncset.done $0x0  }
0x37: {  	s26 =	sadd.s32 $0x1400, s25;
	[sflag:s19] =	ssyncadd.s32 $0xFFFFC000  }
0x38: {  	[spmem:s3] =	stream.indirect.scatter.add.f32 [tilespmem:s17], [sflag:$0x3], $0x80, s26, s16, $0xb8;
	[tilespmem:$0x1E100] =	vst v63  }
0x39: {  	_ =	swait.ge [sflag:s14], $0x4000  }
0x3a: {  	[sflag:s14] =	ssyncset.done $0x0  }
0x3b: {  	s26 =	sadd.s32 $0x100, s25;
	[sflag:s14] =	ssyncadd.s32 $0xFFFFC000  }
0x3c: {  	[tilespmem:s17], [sflag:$0x1] =	stream.indirect.gather [hbm4b:s1+s16], $0x80, s26, s16, $0xb8;
	[tilespmem:$0x1E100] =	vst v63  }
0x3d: {  	_ =	swait.ge [sflag:s20], $0x4000  }
.Ltmp0:
0x3e: {  	[sflag:s20] =	ssyncset.done $0x0;
	(pc) =	sbr.rel @p0 .LBB2_2-.Ltmp0, $4  }
0x3f: {  	s25 =	sadd.s32 $0x1480, s25;
	[sflag:s20] =	ssyncadd.s32 $0xFFFFC000  }
0x40: {  	[spmem:s3] =	stream.indirect.scatter.add.f32 [tilespmem:s18], [sflag:$0x3], $0x80, s25, s16, $0xb8;
	[tilespmem:$0x1E100] =	vst v63  }
0x41: {  	_ =	swait.ge [sflag:s14], $0x4000  }
0x42: {  	s26 =	smov.u32 s30;
	s25 =	sshra.s32 s29, $0x2;
	[sflag:s14] =	ssyncset.done $0x0  }
0x43: {  	s26 =	sadd.s32 $0x80, s25;
	[sflag:s14] =	ssyncadd.s32 $0xFFFFC000  }
0x44: {  	[tilespmem:s18], [sflag:$0x2] =	stream.indirect.gather [hbm4b:s1+s16], $0x80, s26, s16, $0xb8;
	[tilespmem:$0x1E100] =	vst v63  }
0x45: {  	_ =	swait.ge [sflag:s19], $0x4000  }
0x46: {  	[sflag:s19] =	ssyncset.done $0x0  }
0x47: {  	s29 =	sadd.s32 $0x1400, s25;
	[sflag:s19] =	ssyncadd.s32 $0xFFFFC000  }
0x48: {  	[spmem:s3] =	stream.indirect.scatter.add.f32 [tilespmem:s17], [sflag:$0x3], $0x80, s29, s16, $0xb8;
	[tilespmem:$0x1E100] =	vst v63  }
0x49: {  	_ =	swait.ge [sflag:s14], $0x4000  }
0x4a: {  	[sflag:s14] =	ssyncset.done $0x0  }
0x4b: {  	s30 =	sadd.s32 $0x100, s25;
	[sflag:s14] =	ssyncadd.s32 $0xFFFFC000  }
0x4c: {  	[tilespmem:s17], [sflag:$0x1] =	stream.indirect.gather [hbm4b:s1+s16], $0x80, s30, s16, $0xb8;
	[tilespmem:$0x1E100] =	vst v63  }
0x4d: {  	_ =	swait.ge [sflag:s20], $0x4000  }
0x4e: {  	[sflag:s20] =	ssyncset.done $0x0  }
0x4f: {  	s31 =	sadd.s32 $0x1480, s25;
	[sflag:s20] =	ssyncadd.s32 $0xFFFFC000  }
0x50: {  	[spmem:s3] =	stream.indirect.scatter.add.f32 [tilespmem:s18], [sflag:$0x3], $0x80, s31, s16, $0xb8;
	[tilespmem:$0x1E100] =	vst v63  }
0x51: {  	_ =	swait.ge [sflag:s14], $0x4000  }
0x52: {  	[sflag:s14] =	ssyncset.done $0x0  }
0x53: {  	[sflag:s14] =	ssyncadd.s32 $0xFFFFC000  }
0x54: {  	[tilespmem:s18], [sflag:$0x2] =	stream.indirect.gather [hbm4b:s1+s16], $0x80, s21, s16, $0xb8;
	[tilespmem:$0x1E100] =	vst v63  }
0x55: {  	_ =	swait.ge [sflag:s19], $0x4000  }
0x56: {  	[sflag:s19] =	ssyncset.done $0x0  }
0x57: {  	[sflag:s19] =	ssyncadd.s32 $0xFFFFC000  }
0x58: {  	[spmem:s3] =	stream.indirect.scatter.add.f32 [tilespmem:s17], [sflag:$0x3], $0x80, s22, s16, $0xb8;
	[tilespmem:$0x1E100] =	vst v63  }
0x59: {  	_ =	swait.ge [sflag:s14], $0x4000  }
0x5a: {  	[sflag:s14] =	ssyncset.done $0x0  }
0x5b: {  	[sflag:s14] =	ssyncadd.s32 $0xFFFFC000  }
0x5c: {  	_ =	swait.ge [sflag:s20], $0x4000  }
0x5d: {  	[sflag:s20] =	ssyncset.done $0x0  }
0x5e: {  	[sflag:s20] =	ssyncadd.s32 $0xFFFFC000  }
0x5f: {  	[spmem:s3] =	stream.indirect.scatter.add.f32 [tilespmem:s18], [sflag:$0x3], $0x80, s23, s16, $0xb8;
	[tilespmem:$0x1E100] =	vst v63  }
0x60: {  	_ =	swait.ge [sflag:s14], $0x4000  }
0x61: {  	[sflag:s14] =	ssyncset.done $0x0  }
0x62: {  	s26 =	simm.s32 $0x0;
	[sflag:s14] =	ssyncadd.s32 $0xFFFFC000  }
0x63: {  	[tilespmem:s26], [sflag:$0x3] =	stream.linear.gather [hbm4b:s11+s26], $0x1400, $0x38;
	[tilespmem:$0x1E100] =	vst v63  }
0x64: {  	_ =	swait.ge [sflag:s14], $0x1400  }
0x65: {  	[sflag:s14] =	ssyncset.done $0x0  }
0x66: {  	[sflag:s14] =	ssyncadd.s32 $0xFFFFEC00  }
0x67: {  	[tilespmem:s15], [sflag:$0x3] =	stream.linear.gather [hbm4b:s12+s26], $0x1400, $0x38;
	[tilespmem:$0x1E100] =	vst v63  }
0x68: {  	_ =	swait.ge [sflag:s14], $0x1400  }
0x69: {  	[sflag:s14] =	ssyncset.done $0x0  }
0x6a: {  	[sflag:s14] =	ssyncadd.s32 $0xFFFFEC00  }
0x6b: {  	[tilespmem:s17], [sflag:$0x1] =	stream.indirect.gather [hbm4b:s1+s16], $0x80, s26, s16, $0xb8;
	[tilespmem:$0x1E100] =	vst v63  }
0x6c: {  	s28 =	simm.s32 $0x80  }
0x6d: {  	[tilespmem:s18], [sflag:$0x2] =	stream.indirect.gather [hbm4b:s1+s16], $0x80, s28, s16, $0xb8;
	[tilespmem:$0x1E100] =	vst v63  }
0x6e: {  	_ =	swait.ge [sflag:s19], $0x4000  }
0x6f: {  	[sflag:s19] =	ssyncset.done $0x0  }
0x70: {  	s29 =	simm.s32 $0x1400;
	[sflag:s19] =	ssyncadd.s32 $0xFFFFC000  }
0x71: {  	[spmem:s3] =	stream.indirect.scatter.add.f32 [tilespmem:s17], [sflag:$0x3], $0x80, s29, s16, $0xb8;
	[tilespmem:$0x1E100] =	vst v63  }
0x72: {  	_ =	swait.ge [sflag:s14], $0x4000  }
0x73: {  	[sflag:s14] =	ssyncset.done $0x0  }
0x74: {  	s30 =	simm.s32 $0x100;
	[sflag:s14] =	ssyncadd.s32 $0xFFFFC000  }
0x75: {  	[tilespmem:s17], [sflag:$0x1] =	stream.indirect.gather [hbm4b:s1+s16], $0x80, s30, s16, $0xb8;
	[tilespmem:$0x1E100] =	vst v63  }
0x76: {  	_ =	swait.ge [sflag:s20], $0x4000  }
0x77: {  	[sflag:s20] =	ssyncset.done $0x0  }
0x78: {  	s31 =	simm.s32 $0x1480;
	[sflag:s20] =	ssyncadd.s32 $0xFFFFC000  }
0x79: {  	[spmem:s3] =	stream.indirect.scatter.add.f32 [tilespmem:s18], [sflag:$0x3], $0x80, s31, s16, $0xb8;
	[tilespmem:$0x1E100] =	vst v63  }
0x7a: {  	_ =	swait.ge [sflag:s14], $0x4000  }
0x7b: {  	s25 =	simm.s32 $0x100;
	s26 =	simm.s32 $0x800;
	[sflag:s14] =	ssyncset.done $0x0  }
.LBB2_4:
0x7c: {  	s28 =	sadd.s32 $0x80, s25  }
0x7d: {  	[sflag:s14] =	ssyncadd.s32 $0xFFFFC000;
	s29 =	smov.u32 s26;
	s30 =	sadd.s32 $0x400, s26  }
0x7e: {  	[tilespmem:s18], [sflag:$0x2] =	stream.indirect.gather [hbm4b:s1+s16], $0x80, s28, s16, $0xb8;
	[tilespmem:$0x1E100] =	vst v63  }
0x7f: {  	p0 =	sne.s32 s26, $0x4800;
	_ =	swait.ge [sflag:s19], $0x4000  }
0x80: {  	[sflag:s19] =	ssyncset.done $0x0  }
0x81: {  	s26 =	sadd.s32 $0x1400, s25;
	[sflag:s19] =	ssyncadd.s32 $0xFFFFC000  }
0x82: {  	[spmem:s3] =	stream.indirect.scatter.add.f32 [tilespmem:s17], [sflag:$0x3], $0x80, s26, s16, $0xb8;
	[tilespmem:$0x1E100] =	vst v63  }
0x83: {  	_ =	swait.ge [sflag:s14], $0x4000  }
0x84: {  	[sflag:s14] =	ssyncset.done $0x0  }
0x85: {  	s26 =	sadd.s32 $0x100, s25;
	[sflag:s14] =	ssyncadd.s32 $0xFFFFC000  }
0x86: {  	[tilespmem:s17], [sflag:$0x1] =	stream.indirect.gather [hbm4b:s1+s16], $0x80, s26, s16, $0xb8;
	[tilespmem:$0x1E100] =	vst v63  }
0x87: {  	_ =	swait.ge [sflag:s20], $0x4000  }
.Ltmp1:
0x88: {  	[sflag:s20] =	ssyncset.done $0x0;
	(pc) =	sbr.rel @p0 .LBB2_4-.Ltmp1, $4  }
0x89: {  	s25 =	sadd.s32 $0x1480, s25;
	[sflag:s20] =	ssyncadd.s32 $0xFFFFC000  }
0x8a: {  	[spmem:s3] =	stream.indirect.scatter.add.f32 [tilespmem:s18], [sflag:$0x3], $0x80, s25, s16, $0xb8;
	[tilespmem:$0x1E100] =	vst v63  }
0x8b: {  	_ =	swait.ge [sflag:s14], $0x4000  }
0x8c: {  	s26 =	smov.u32 s30;
	s25 =	sshra.s32 s29, $0x2;
	[sflag:s14] =	ssyncset.done $0x0  }
0x8d: {  	s26 =	sadd.s32 $0x80, s25;
	[sflag:s14] =	ssyncadd.s32 $0xFFFFC000  }
0x8e: {  	[tilespmem:s18], [sflag:$0x2] =	stream.indirect.gather [hbm4b:s1+s16], $0x80, s26, s16, $0xb8;
	[tilespmem:$0x1E100] =	vst v63  }
0x8f: {  	_ =	swait.ge [sflag:s19], $0x4000  }
0x90: {  	[sflag:s19] =	ssyncset.done $0x0  }
0x91: {  	s29 =	sadd.s32 $0x1400, s25;
	[sflag:s19] =	ssyncadd.s32 $0xFFFFC000  }
0x92: {  	[spmem:s3] =	stream.indirect.scatter.add.f32 [tilespmem:s17], [sflag:$0x3], $0x80, s29, s16, $0xb8;
	[tilespmem:$0x1E100] =	vst v63  }
0x93: {  	_ =	swait.ge [sflag:s14], $0x4000  }
0x94: {  	[sflag:s14] =	ssyncset.done $0x0  }
0x95: {  	s30 =	sadd.s32 $0x100, s25;
	[sflag:s14] =	ssyncadd.s32 $0xFFFFC000  }
0x96: {  	[tilespmem:s17], [sflag:$0x1] =	stream.indirect.gather [hbm4b:s1+s16], $0x80, s30, s16, $0xb8;
	[tilespmem:$0x1E100] =	vst v63  }
0x97: {  	_ =	swait.ge [sflag:s20], $0x4000  }
0x98: {  	[sflag:s20] =	ssyncset.done $0x0  }
0x99: {  	s31 =	sadd.s32 $0x1480, s25;
	[sflag:s20] =	ssyncadd.s32 $0xFFFFC000  }
0x9a: {  	[spmem:s3] =	stream.indirect.scatter.add.f32 [tilespmem:s18], [sflag:$0x3], $0x80, s31, s16, $0xb8;
	[tilespmem:$0x1E100] =	vst v63  }
0x9b: {  	_ =	swait.ge [sflag:s14], $0x4000  }
0x9c: {  	[sflag:s14] =	ssyncset.done $0x0  }
0x9d: {  	[sflag:s14] =	ssyncadd.s32 $0xFFFFC000  }
0x9e: {  	[tilespmem:s18], [sflag:$0x2] =	stream.indirect.gather [hbm4b:s1+s16], $0x80, s21, s16, $0xb8;
	[tilespmem:$0x1E100] =	vst v63  }
0x9f: {  	_ =	swait.ge [sflag:s19], $0x4000  }
0xa0: {  	[sflag:s19] =	ssyncset.done $0x0  }
0xa1: {  	[sflag:s19] =	ssyncadd.s32 $0xFFFFC000  }
0xa2: {  	[spmem:s3] =	stream.indirect.scatter.add.f32 [tilespmem:s17], [sflag:$0x3], $0x80, s22, s16, $0xb8;
	[tilespmem:$0x1E100] =	vst v63  }
0xa3: {  	_ =	swait.ge [sflag:s14], $0x4000  }
0xa4: {  	[sflag:s14] =	ssyncset.done $0x0  }
0xa5: {  	[sflag:s14] =	ssyncadd.s32 $0xFFFFC000  }
0xa6: {  	_ =	swait.ge [sflag:s20], $0x4000  }
0xa7: {  	[sflag:s20] =	ssyncset.done $0x0  }
0xa8: {  	[sflag:s20] =	ssyncadd.s32 $0xFFFFC000  }
0xa9: {  	[spmem:s3] =	stream.indirect.scatter.add.f32 [tilespmem:s18], [sflag:$0x3], $0x80, s23, s16, $0xb8;
	[tilespmem:$0x1E100] =	vst v63  }
0xaa: {  	_ =	swait.ge [sflag:s14], $0x4000  }
0xab: {  	s24 =	sadd.s32 $0x1, s24;
	[sflag:s14] =	ssyncset.done $0x0  }
0xac: {  	p0 =	sne.s32 s24, s8;
	[sflag:s14] =	ssyncadd.s32 $0xFFFFC000  }
.Ltmp2:
0xad: {  	[bflag:$0x0] =	sbarrier.arrive $0xFFFF;
	(pc) =	sbr.rel @p0 .LBB2_1-.Ltmp2, $4  }
0xae: {  	[hbm:s7], [sflag:s6] =	dma.local [spmem:s13], $0x2800  }
0xaf: {  	_ =	swait.ge [sflag:s14], $0x2800  }
0xb0: {  	[sflag:s14] =	ssyncset.done $0x0  }
0xb1: {  	[sflag:s14] =	ssyncadd.s32 $0xFFFFD800  }
0xb2: {  	_ =	sfence.sel $0x180000  }
0xb3: {  	[bflag:$0x0] =	sbarrier.arrive $0xFFFF  }
0xb4: {  	p0 =	sne.s32 s2, $0x0;
	_ =	strace $0x9000004D  }
0xb5: {  	s0 =	sadd.s32 @!p0 $0x100000, s0;
	[bflag:$0x2] =	sbarrier.arrive $0xFFFF  }
0xb6: {  	[sflag:s0] =	ssyncadd.tile.s32 @!p0 $0x1;
	_ =	shalt  }
.Lfunc_end2:
_tile_overlayer_lowered:
.L_overlay_start_2:
0xb7: {  	(tag) =	ssettag $0x2  }
0xb8: {  	s0 =	rddreg [dreg:$0x0];
	s2 =	stileid.u32  }
0xb9: {  	s1 =	rddreg [dreg:$0x1];
	p0 =	sne.s32 s2, $0x0  }
0xba: {  	s3 =	rddreg [dreg:$0x2];
	[bflag:$0x3] =	sbarrier.arrive $0xFFFF;
	s2 =	simm.s32 @!p0 $0x1C03  }
0xbb: {  	[timem:s3], [sflag:s2] =	dma.local @!p0 [hbm:s0], s1  }
0xbc: {  	s0 =	simm.s32 @!p0 $0x3  }
0xbd: {  	_ =	swait.ge @!p0 [sflag:s0], s1  }
0xbe: {  	s1 =	ssub.s32 @!p0 $0x0, s1;
	[sflag:s0] =	ssyncset.done @!p0 $0x0  }
0xbf: {  	[sflag:s0] =	ssyncadd.s32 @!p0 s1  }
0xc0: {  	[bflag:$0x3] =	sbarrier.arrive $0xFFFF  }
0xc1: {  	_ =	shalt  }

// kernel: kernel.8.cloned.1.call-start
scs
__scs_entry_jumppad:
0x0: {  	(pc) =	sbr.rel $0x88, $3  }
0x1: {  	(tag) =	ssettag $0x0;
	lr =	simm.s32 $0x1  }
0x2: {  	[smem:$0x3F9B] =	sst lr;
	_ =	strace $0xD0000000  }
0x3: {  	_ = 	snop  }
0x4: {  	_ = 	snop  }
0x5: {  	_ = 	snop  }
0x6: {  	_ = 	snop  }
0x7: {  	_ = 	snop  }
__scs_overlays_trampoline_lowered:
0x8: {  	[smem:$0x3FAA] =	sst s0  }
0x9: {  	[smem:$0x3FAB] =	sst s1  }
0xa: {  	[smem:$0x3FAC] =	sst s2  }
0xb: {  	[smem:$0x3FAD] =	sst s3  }
0xc: {  	[smem:$0x3FAE] =	sst s4  }
0xd: {  	[smem:$0x3FAF] =	sst s5  }
0xe: {  	[smem:$0x3FB0] =	sst s6  }
0xf: {  	[smem:$0x3FB1] =	sst s7  }
0x10: {  	[smem:$0x3FB2] =	sst s8  }
0x11: {  	[smem:$0x3FB3] =	sst s9;
	s0 =	simm.s32 @!p0 $0x0  }
0x12: {  	s1 =	sld [smem:$0x3F99];
	s0 =	simm.s32 @p0 $0x1  }
0x13: {  	[smem:$0x3FB4] =	sst s0;
	s0 =	simm.s32 @!p1 $0x0  }
0x14: {  	s2 =	sld [smem:$0x3F98];
	s0 =	simm.s32 @p1 $0x1  }
0x15: {  	[smem:$0x3FB5] =	sst s0;
	s0 =	simm.s32 @!p2 $0x0  }
0x16: {  	s3 =	sld [smem:$0x3FDB];
	s0 =	simm.s32 @p2 $0x1  }
0x17: {  	s4 =	simm.s32 $0x1BF5;
	[smem:$0x3FB7] =	sst s0  }
0x18: {  	s0 =	sld [smem:$0x3F9A];
	_ =	swait.ge [sflag:s4], $0x0  }
0x19: {  	s7 =	sld [smem:$0x3F9B]  }
0x1a: {  	s8 =	sadd.s32 $0xFFFFE003, lr  }
0x1b: {  	s9 =	sadd.s32 $0xFFFFFEF7, lr;
	s5 =	simm.s32 $0xFFFFFFFF;
	p2 =	slt.u32 s8, $0xFFFFF086  }
0x1c: {  	p1 =	slt.u32 s9, $0xF7A;
	s5 =	simm.s32 @!p2 $0x0  }
0x1d: {  	s5 =	simm.s32 @p1 $0x1;
	p0 =	seq.s32 s7, s2  }
0x1e: {  	s7 =	smul.u32 @!p0 $0xF7A, s2;
	p2 =	seq.s32 @!p0 s5, $0x0  }
0x1f: {  	s9 =	smul.u32 $0xF7A, s1;
	s8 =	simm.s32 @!p0 $0x1BF5;
	p2 =	por !p2, p0  }
0x20: {  	[sflag:s8] =	ssyncset.s32 @!p0 $0xFFFFF086;
	s6 =	sadd.s32 @!p0 s3, s7;
	s7 =	simm.s32 @!p0 $0x108  }
0x21: {  	s3 =	sadd.s32 s3, s9;
	s6 =	sadd.s32 @!p0 $0x88, s6;
	s7 =	simm.s32 @p2 $0x1082  }
0x22: {  	[simem:s7], [sflag:s8] =	dma.local @!p0 [hbm:s6], $0xF7A  }
0x23: {  	s9 =	sor.u32 $0xD0000000, s2;
	s6 =	simm.s32 $0x108;
	_ =	swait.ge @!p0 [sflag:s8], $0x0  }
0x24: {  	s3 =	sadd.s32 $0x88, s3;
	s6 =	simm.s32 @!p1 $0x1082;
	[sflag:s4] =	ssyncset.s32 $0xFFFFF086  }
0x25: {  	[simem:s6], [sflag:s4] =	dma.local [hbm:s3], $0xF7A  }
0x26: {  	[smem:$0x3F9B] =	sst s1;
	(tag) =	ssettag s2;
	_ =	strace s9  }
0x27: {  	s1 =	sld [smem:$0x3FAB]  }
0x28: {  	s2 =	sld [smem:$0x3FAC]  }
0x29: {  	s4 =	sld [smem:$0x3FAE]  }
0x2a: {  	p0 =	seq.s32 s5, $0x0;
	s5 =	sld [smem:$0x3FAF]  }
0x2b: {  	s6 =	sld [smem:$0x3FB0]  }
0x2c: {  	s7 =	sld [smem:$0x3FB1]  }
0x2d: {  	s3 =	simm.s32 $0x108;
	s8 =	sld [smem:$0x3FB2]  }
0x2e: {  	s3 =	simm.s32 @!p0 $0x1082;
	s9 =	sld [smem:$0x3FB3]  }
0x2f: {  	lr =	sadd.s32 s0, s3;
	s0 =	sld [smem:$0x3FAA]  }
0x30: {  	s3 =	sld [smem:$0x3FAD]  }
0x31: {  	[smem:$0x3FB6] =	sst s10  }
0x32: {  	s10 =	sld [smem:$0x3FB4];
	_ =	sdelay $0x3  }
0x33: {  	p0 =	seq.s32 s10, $0x1;
	s10 =	sld [smem:$0x3FB6];
	_ =	sdelay $0x3  }
0x34: {  	[smem:$0x3FB6] =	sst s10  }
0x35: {  	s10 =	sld [smem:$0x3FB5];
	_ =	sdelay $0x3  }
0x36: {  	p1 =	seq.s32 s10, $0x1;
	s10 =	sld [smem:$0x3FB6];
	_ =	sdelay $0x3  }
0x37: {  	[smem:$0x3FB6] =	sst s10  }
0x38: {  	s10 =	sld [smem:$0x3FB7]  }
0x39: {  	_ = 	snop;
	(pc) =	sbr.ind lr, $3  }
0x3a: {  	_ = 	snop  }
0x3b: {  	_ = 	snop  }
0x3c: {  	p2 =	seq.s32 s10, $0x1;
	s10 =	sld [smem:$0x3FB6]  }
0x3d: {  	_ =	shalt  }
0x3e: {  	_ =	shalt  }
0x3f: {  	_ =	shalt  }
0x40: {  	_ =	shalt  }
0x41: {  	_ =	shalt  }
0x42: {  	_ =	shalt  }
0x43: {  	_ =	shalt  }
0x44: {  	_ =	shalt  }
0x45: {  	_ =	shalt  }
0x46: {  	_ =	shalt  }
0x47: {  	_ =	shalt  }
0x48: {  	_ =	shalt  }
0x49: {  	_ =	shalt  }
0x4a: {  	_ =	shalt  }
0x4b: {  	_ =	shalt  }
0x4c: {  	_ =	shalt  }
0x4d: {  	_ =	shalt  }
0x4e: {  	_ =	shalt  }
0x4f: {  	_ =	shalt  }
0x50: {  	_ =	shalt  }
0x51: {  	_ =	shalt  }
0x52: {  	_ =	shalt  }
0x53: {  	_ =	shalt  }
0x54: {  	_ =	shalt  }
0x55: {  	_ =	shalt  }
0x56: {  	_ =	shalt  }
0x57: {  	_ =	shalt  }
0x58: {  	_ =	shalt  }
0x59: {  	_ =	shalt  }
0x5a: {  	_ =	shalt  }
0x5b: {  	_ =	shalt  }
0x5c: {  	_ =	shalt  }
0x5d: {  	_ =	shalt  }
0x5e: {  	_ =	shalt  }
0x5f: {  	_ =	shalt  }
0x60: {  	_ =	shalt  }
0x61: {  	_ =	shalt  }
0x62: {  	_ =	shalt  }
0x63: {  	_ =	shalt  }
0x64: {  	_ =	shalt  }
0x65: {  	_ =	shalt  }
0x66: {  	_ =	shalt  }
0x67: {  	_ =	shalt  }
0x68: {  	_ =	shalt  }
0x69: {  	_ =	shalt  }
0x6a: {  	_ =	shalt  }
0x6b: {  	_ =	shalt  }
0x6c: {  	_ =	shalt  }
0x6d: {  	_ =	shalt  }
0x6e: {  	_ =	shalt  }
0x6f: {  	_ =	shalt  }
0x70: {  	_ =	shalt  }
0x71: {  	_ =	shalt  }
0x72: {  	_ =	shalt  }
0x73: {  	_ =	shalt  }
0x74: {  	_ =	shalt  }
0x75: {  	_ =	shalt  }
0x76: {  	_ =	shalt  }
0x77: {  	_ =	shalt  }
0x78: {  	_ =	shalt  }
0x79: {  	_ =	shalt  }
0x7a: {  	_ =	shalt  }
0x7b: {  	_ =	shalt  }
0x7c: {  	_ =	shalt  }
0x7d: {  	_ =	shalt  }
0x7e: {  	_ =	shalt  }
0x7f: {  	_ =	shalt  }
0x80: {  	_ =	shalt  }
0x81: {  	_ =	shalt  }
0x82: {  	_ =	shalt  }
0x83: {  	_ =	shalt  }
0x84: {  	_ =	shalt  }
0x85: {  	_ =	shalt  }
0x86: {  	_ =	shalt  }
0x87: {  	_ =	shalt  }
.Lfunc_end0:
.L_simem_size_0:
called_computation_lowered:
.L_overlay_start_0:
0x88: {  	s2 =	sld [smem:$0x3FD9]  }
0x89: {  	s3 =	sld [smem:$0x3FFE];
	_ =	sdelay $0x1  }
0x8a: {  	s1 =	srdreg.scid  }
0x8b: {  	s0 =	sand.u32 $0x1, s1  }
0x8c: {  	s16 =	sshll.u32 s0, $0xA;
	s2 =	sadd.s32 s3, s2  }
0x8d: {  	s2 =	sadd.s32 s2, s16  }
0x8e: {  	[smem:$0x3FC2] =	sst s2  }
0x8f: {  	_ = 	snop  }
0x90: {  	(tm) =	ssettm $0x1  }
0x91: {  	s17 =	sld [smem:$0x3FFB];
	_ =	sdelay $0x3  }
0x92: {  	_ =	strace s17  }
0x93: {  	s2 =	sld [smem:$0x3FFC];
	_ =	sdelay $0x3  }
0x94: {  	_ =	strace s2  }
0x95: {  	s2 =	sld [smem:$0x3FFD];
	_ =	sdelay $0x3  }
0x96: {  	_ =	strace s2  }
0x97: {  	_ =	strace $0x8FFFFFFF  }
0x98: {  	s18 =	sld [smem:$0x3FDB];
	_ =	sdelay $0x1  }
0x99: {  	s19 =	simm.s32 $_scs_section_size  }
0x9a: {  	s4 =	simm.s32 $_size__tile_overlayer_lowered;
	s5 =	simm.s32 $_tile_overlayer_lowered  }
0x9b: {  	s22 =	simm.s32 $0x1BFF;
	s21 =	sshll.u32 s5, $0x1;
	s2 =	sadd.s32 s19, s18  }
0x9c: {  	s6 =	simm.s32 $0x0;
	s20 =	sshll.u32 s4, $0x1;
	s4 =	sadd.s32 s21, s2  }
0x9d: {  	[timem:s6], [sflag:s22] =	dma.local [hbm:s4], s20  }
0x9e: {  	_ =	swait.ge [sflag:s22], s20  }
0x9f: {  	s3 =	ssub.s32 $0x0, s20;
	[sflag:s22] =	ssyncset.done $0x0  }
0xa0: {  	[sflag:s22] =	ssyncadd.s32 s3;
	_ =	sdelay $0x1  }
0xa1: {  	s23 =	simm.s32 $0x1B8B  }
0xa2: {  	_ =	swait.ge [sflag:s23], $0x1  }
0xa3: {  	[sflag:s23] =	ssyncset.done $0x0  }
0xa4: {  	s25 =	simm.s32 $0x1B8E;
	s24 =	sld [smem:$0x3FFE];
	[sflag:s23] =	ssyncadd.s32 $0xFFFFFFFF  }
0xa5: {  	s26 =	simm.s32 $execute0_lowered;
	[smem:$0x3FD2] =	sst s25  }
0xa6: {  	s4 =	sshll.u32 s26, $0x1;
	_ =	strace $0x80000046;
	[dreg:$0x1] =	wrdreg $0xFFFFFFFF  }
0xa7: {  	s28 =	simm.s32 $_size_execute0_lowered;
	s2 =	sadd.s32 s2, s4;
	[dreg:$0x0] =	wrdreg $0x0  }
0xa8: {  	s4 =	sshll.u32 s28, $0x1;
	[dreg:$0x2] =	wrdreg s2  }
0xa9: {  	[dreg:$0x3] =	wrdreg s4  }
0xaa: {  	[dreg:$0x4] =	wrdreg $0xC0  }
0xab: {  	_ =	task [dreg:s6], $0x5FFFF  }
0xac: {  	[dreg:$0x1] =	wrdreg $0xFFFFFFFF  }
0xad: {  	[dreg:$0x0] =	wrdreg $0x60  }
0xae: {  	[dreg:$0x2] =	wrdreg s24  }
0xaf: {  	[dreg:$0x3] =	wrdreg $0x68000  }
0xb0: {  	[dreg:$0x4] =	wrdreg $0x9  }
0xb1: {  	_ =	task.clear_ibuf [dreg:s6], $0x5FFFF;
	_ =	strace $0x90000046  }
0xb2: {  	s29 =	simm.s32 $0x9;
	_ =	strace $0x80000048  }
0xb3: {  	_ =	swait.ge [sflag:s29], $0x1  }
0xb4: {  	[sflag:s29] =	ssyncadd.s32 $0xFFFFFFFF  }
0xb5: {  	_ =	strace $0x90000048  }
0xb6: {  	_ =	sfence  }
0xb7: {  	s30 =	sld [smem:$0x0];
	_ =	sdelay $0x2  }
0xb8: {  	s31 =	sshll.u32 s1, $0xD;
	s1 =	sshrl.u32 s1, $0x2  }
0xb9: {  	s3 =	sand.u32 $0x4000, s31;
	s1 =	sadd.s32 s1, s30  }
0xba: {  	s0 =	sor.u32 s3, s0;
	s1 =	sshll.u32 s1, $0x11  }
0xbb: {  	s0 =	sor.u32 s1, s0  }
0xbc: {  	s0 =	sadd.s32 $0x8F2B, s0  }
0xbd: {  	[sflag:s0] =	ssyncadd.remote.s32 $0x1  }
0xbe: {  	_ =	sfence.sel $0xFFFF  }
0xbf: {  	[dreg:$0x0] =	wrdreg $0xFFFFFFFF;
	(pc) =	sbr.abs _section_cstart, $3  }
0xc0: {  	[dreg:$0x1] =	wrdreg $0xFFFFFFFF  }
0xc1: {  	_ =	task.clear_ibuf [dreg:s6], $0x2FFFF;
	_ =	strace $0x9FFFFFFF  }
0xc2: {  	(tm) =	ssettm $0x7FFFFFFF  }
0xc3: {  	_ =	shalt  }
tec
execute0_lowered:
.L_overlay_start_1:
0x0: {  	(tag) =	ssettag $0x1  }
0x1: {  	s6 =	rddreg [dreg:$0x0]  }
0x2: {  	s0 =	srdreg.scid;
	s2 =	rddreg [dreg:$0x1]  }
0x3: {  	s12 =	simm.s32 $0x2800;
	s5 =	sand.u32 $0x1, s0;
	s0 =	stileid.u32  }
0x4: {  	s13 =	simm.s32 $0x80;
	s14 =	simm.s32 $0x0;
	s4 =	smul.u32 $0x280, s0  }
0x5: {  	s1 =	sshll.u32 s5, $0x4;
	s8 =	smul.u32 $0x138800, s5;
	s10 =	ssub.s32 $0x2, s5  }
0x6: {  	s5 =	sadd.s32 $0x17200, s6;
	s31 =	sshll.u32 s0, $0x6;
	s3 =	sor.u32 s0, s1  }
0x7: {  	s1 =	rddreg [dreg:$0x2];
	s30 =	sshrl.u32 s10, $0x1;
	s7 =	smul.u32 $0x500, s3  }
0x8: {  	s3 =	simm.s32 $0x0;
	s4 =	smin.u32 s4, $0x2490;
	s10 =	ssub.s32 s10, s30  }
0x9: {  	[smem:$0x7FF] =	sst s3;
	s9 =	sshll.u32 s4, $0x7;
	s4 =	sadd.s32 $0x16A00, s6  }
0xa: {  	_ =	strace $0x80000047;
	s7 =	sadd.s32 s7, s6;
	s8 =	sadd.s32 s8, s9  }
0xb: {  	s11 =	sadd.s32 s9, s2;
	s9 =	smax.u32 s10, $0x1;
	s8 =	sshrl.u32 s8, $0x3  }
0xc: {  	s7 =	sadd.s32 $0x2A00, s7;
	s10 =	sshrl.u32 s11, $0x3;
	s8 =	sadd.s32 s8, s6  }
0xd: {  	s11 =	simm.s32 $0x1;
	s6 =	sor.u32 $0x1C01, s31;
	s8 =	sadd.s32 $0x19A00, s8  }
.LBB2_1:
0xe: {  	[spmem:s10], [sflag:s6] =	dma.local [hbm:s5], $0x2800  }
0xf: {  	_ =	swait.ge [sflag:s11], $0x2800  }
0x10: {  	[sflag:s11] =	ssyncset.done $0x0  }
0x11: {  	[sflag:s11] =	ssyncadd.s32 $0xFFFFD800  }
0x12: {  	[tilespmem:s12], [sflag:$0x1] =	stream.linear.gather [hbm4b:s4+s3], $0x4000, $0x38;
	[tilespmem:$0x1A100] =	vst v63  }
0x13: {  	_ =	swait.ge [sflag:s11], $0x4000  }
0x14: {  	[sflag:s11] =	ssyncset.done $0x0  }
0x15: {  	[sflag:s11] =	ssyncadd.s32 $0xFFFFC000  }
0x16: {  	[tilespmem:s3], [sflag:$0x1] =	stream.linear.gather [hbm4b:s7+s3], $0x2800, $0x38;
	[tilespmem:$0x1A100] =	vst v63  }
0x17: {  	_ =	swait.ge [sflag:s11], $0x2800  }
0x18: {  	[sflag:s11] =	ssyncset.done $0x0  }
0x19: {  	[sflag:s11] =	ssyncadd.s32 $0xFFFFD800  }
0x1a: {  	s15 =	simm.s32 $0x0;
	[bflag:$0x0] =	sbarrier.arrive $0xFFFF  }
0x1b: {  	[spmem:s2] =	stream.indirect.scatter.add.f32 [tilespmem:s12], [sflag:$0x1], $0x80, s15, s13, $0xb8;
	[tilespmem:$0x1A100] =	vst v63  }
0x1c: {  	_ =	swait.ge [sflag:s11], $0x4000  }
0x1d: {  	s15 =	simm.s32 $0x200;
	[sflag:s11] =	ssyncset.done $0x0  }
.LBB2_2:
0x1e: {  	s16 =	sshra.s32 s15, $0x2;
	[sflag:s11] =	ssyncadd.s32 $0xFFFFC000;
	p0 =	sne.s32 s15, $0x9E00  }
0x1f: {  	[spmem:s2] =	stream.indirect.scatter.add.f32 [tilespmem:s12], [sflag:$0x1], $0x80, s16, s13, $0xb8;
	[tilespmem:$0x1A100] =	vst v63  }
.Ltmp0:
0x20: {  	_ = 	snop;
	(pc) =	sbr.rel @p0 .LBB2_2-.Ltmp0, $4  }
0x21: {  	_ = 	snop  }
0x22: {  	s15 =	sadd.s32 $0x200, s15  }
0x23: {  	_ =	swait.ge [sflag:s11], $0x4000  }
0x24: {  	[sflag:s11] =	ssyncset.done $0x0  }
0x25: {  	s14 =	sadd.s32 $0x1, s14  }
0x26: {  	[sflag:s11] =	ssyncadd.s32 $0xFFFFC000;
	p0 =	sne.s32 s14, s9  }
.Ltmp1:
0x27: {  	[bflag:$0x0] =	sbarrier.arrive $0xFFFF;
	(pc) =	sbr.rel @p0 .LBB2_1-.Ltmp1, $4  }
0x28: {  	[hbm:s8], [sflag:s6] =	dma.local [spmem:s10], $0x2800  }
0x29: {  	_ =	swait.ge [sflag:s11], $0x2800  }
0x2a: {  	[sflag:s11] =	ssyncset.done $0x0  }
0x2b: {  	[sflag:s11] =	ssyncadd.s32 $0xFFFFD800  }
0x2c: {  	_ =	sfence.sel $0x180000  }
0x2d: {  	[bflag:$0x0] =	sbarrier.arrive $0xFFFF  }
0x2e: {  	p0 =	sne.s32 s0, $0x0;
	_ =	strace $0x90000047  }
0x2f: {  	s0 =	sadd.s32 @!p0 $0x100000, s1;
	[bflag:$0x2] =	sbarrier.arrive $0xFFFF  }
0x30: {  	[sflag:s0] =	ssyncadd.tile.s32 @!p0 $0x1;
	_ =	shalt  }
.Lfunc_end2:
_tile_overlayer_lowered:
.L_overlay_start_2:
0x31: {  	(tag) =	ssettag $0x2  }
0x32: {  	s0 =	rddreg [dreg:$0x0];
	s2 =	stileid.u32  }
0x33: {  	s1 =	rddreg [dreg:$0x1];
	p0 =	sne.s32 s2, $0x0  }
0x34: {  	s3 =	rddreg [dreg:$0x2];
	[bflag:$0x3] =	sbarrier.arrive $0xFFFF;
	s2 =	simm.s32 @!p0 $0x1C01  }
0x35: {  	[timem:s3], [sflag:s2] =	dma.local @!p0 [hbm:s0], s1  }
0x36: {  	s0 =	simm.s32 @!p0 $0x1  }
0x37: {  	_ =	swait.ge @!p0 [sflag:s0], s1  }
0x38: {  	s1 =	ssub.s32 @!p0 $0x0, s1;
	[sflag:s0] =	ssyncset.done @!p0 $0x0  }
0x39: {  	[sflag:s0] =	ssyncadd.s32 @!p0 s1  }
0x3a: {  	[bflag:$0x3] =	sbarrier.arrive $0xFFFF  }
0x3b: {  	_ =	shalt  }

</sc_bundles>
